<compile_context>
chip_gen: v7x
topology: tpu7x:2x2x1
jax: 0.10.2.dev20260603
libtpu: 0.0.44.dev20260713+nightly
codegen_flags: <defaults>
</compile_context>

<pallas_src>
import functools

import jax
import jax.numpy as jnp
from jax import lax
from jax.experimental import pallas as pl
from jax.experimental.pallas import tpu as pltpu
from jax.experimental.pallas import tpu_sc as plsc

N = 10000
D = 128
E = 160000
ET = E + N
EC = 512
NB = 200
NBLK = N // NB
NWORK = 32
GCH = 128
GSTEPS = 42
EPAD = NWORK * GCH * GSTEPS
LIVE = (1, 2, 4, 5)


def _prep_body(x_ref, iv_ref, sp_ref, wc_ref, asrc_ref, adst_ref, bc_ref,
               wti_ref, bti_ref, wti2_ref, wts_ref, bts_ref, wts1_ref,
               bts1_ref, bg_ref, ad_ref, u_ref, addc_ref):
    x = x_ref[...]
    ucols, vcols = [], []
    for c in LIVE:
        for h in range(2):
            wch = wc_ref[c, :, h * D:(h + 1) * D]
            ucols.append(jnp.dot(wch, asrc_ref[c, h][:, None],
                                 preferred_element_type=jnp.float32))
            vcols.append(jnp.dot(wch, adst_ref[c, h][:, None],
                                 preferred_element_type=jnp.float32))
    zpad = jnp.zeros((D, 8), dtype=jnp.float32)
    u = jnp.concatenate(ucols + [zpad], axis=1)
    v = jnp.concatenate(vcols + [zpad], axis=1)
    u_ref[...] = u
    ad_ref[...] = jnp.dot(x, v, preferred_element_type=jnp.float32)
    tmean = jnp.mean(jnp.tanh(iv_ref[...] * wti_ref[...] + bti_ref[...]),
                     axis=0, keepdims=True)
    smean = jnp.mean(jnp.tanh(sp_ref[...] * wts_ref[...] + bts_ref[...]),
                     axis=0, keepdims=True)
    r_ts = (bc_ref[1][None] + bts1_ref[...]
            + jnp.dot(smean, wts1_ref[...], preferred_element_type=jnp.float32))
    r_i = bc_ref[2][None] + bg_ref[0][None]
    r_c = bc_ref[4][None] + bg_ref[2][None]
    r_o = (bc_ref[5][None] + bg_ref[3][None]
           + 2.0 * jnp.dot(tmean, wti2_ref[...], preferred_element_type=jnp.float32))
    zrow = jnp.zeros((4, D), dtype=jnp.float32)
    addc_ref[...] = jnp.concatenate([r_ts, r_i, r_c, r_o, zrow], axis=0)


def _dense_prep(X, intevrals, spans, Wc, a_src, a_dst, bc,
                W_ti, b_ti, W_ti2, W_ts, b_ts, W_ts1, b_ts1, b_gates):
    return pl.pallas_call(
        _prep_body,
        out_shape=[
            jax.ShapeDtypeStruct((N, 16), jnp.float32),
            jax.ShapeDtypeStruct((D, 16), jnp.float32),
            jax.ShapeDtypeStruct((8, D), jnp.float32),
        ],
    )(X, intevrals[:, None], spans[:, None], Wc, a_src, a_dst, bc,
      W_ti, b_ti, W_ti2, W_ts, b_ts, W_ts1, b_ts1, b_gates)


def _gather_body(x_hbm, idx_hbm, out_hbm, idx_v, rows_v, sem):
    wid = lax.axis_index("c") * 16 + lax.axis_index("s")
    base = wid * (GCH * GSTEPS)

    def step(j, _):
        off = base + j * GCH
        pltpu.sync_copy(idx_hbm.at[pl.ds(off, GCH)], idx_v)
        pltpu.async_copy(x_hbm.at[idx_v], rows_v, sem).wait()
        pltpu.sync_copy(rows_v, out_hbm.at[pl.ds(off, GCH), :])
        return 0

    lax.fori_loop(0, GSTEPS, step, 0)


def _sc_gather(X, s2s):
    mesh = plsc.VectorSubcoreMesh(core_axis_name="c", subcore_axis_name="s")
    return pl.kernel(
        _gather_body,
        mesh=mesh,
        out_type=jax.ShapeDtypeStruct((EPAD, D), jnp.float32),
        scratch_types=[
            pltpu.VMEM((GCH,), jnp.int32),
            pltpu.VMEM((GCH, D), jnp.float32),
            pltpu.SemaphoreType.DMA,
        ],
    )(X, s2s)


def _fused_body(bstart_ref, xg_ref, d2_ref, u_ref, ad_ref, wstk_ref, addc_ref,
                h_ref, c_ref, xg_v, d2_v, acc, den, sem1, sem2):
    b = pl.program_id(0)
    n0 = b * NB
    win_lo = bstart_ref[b]
    win_hi = bstart_ref[b + 1]
    astart = (win_lo // 8) * 8
    nc = (win_hi - astart + EC - 1) // EC

    acc[...] = jnp.zeros((8, NB, D), dtype=jnp.float32)
    den[...] = jnp.zeros((NB, 16), dtype=jnp.float32)

    u = u_ref[...]
    adblk = ad_ref[...]

    def body(i, _):
        off = astart + i * EC
        cp1 = pltpu.make_async_copy(xg_ref.at[pl.ds(off, EC), :], xg_v, sem1)
        cp2 = pltpu.make_async_copy(d2_ref.at[pl.ds(off, EC), :], d2_v, sem2)
        cp1.start()
        cp2.start()
        cp1.wait()
        cp2.wait()
        xgc = xg_v[...]
        d2c = d2_v[...]
        ids = n0 + lax.broadcasted_iota(jnp.int32, (EC, NB), 1)
        indt = (d2c == ids).astype(jnp.float32)
        asrc = jnp.dot(xgc, u, preferred_element_type=jnp.float32)
        adst = jnp.dot(indt, adblk, preferred_element_type=jnp.float32)
        lg = asrc + adst
        w = jnp.exp(jnp.where(lg >= 0.0, lg, 0.2 * lg))
        den[...] += lax.dot_general(indt, w, (((0,), (0,)), ((), ())),
                                    preferred_element_type=jnp.float32)
        for k in range(8):
            mk = indt * w[:, k:k + 1]
            acc[k] += lax.dot_general(mk, xgc, (((0,), (0,)), ((), ())),
                                      preferred_element_type=jnp.float32)
        return 0

    lax.fori_loop(0, nc, body, 0)

    dg = den[...] + 1e-16
    gates = []
    for ci in range(4):
        a0 = acc[2 * ci] / dg[:, 2 * ci:2 * ci + 1]
        a1 = acc[2 * ci + 1] / dg[:, 2 * ci + 1:2 * ci + 2]
        g = 0.5 * (jnp.dot(a0, wstk_ref[2 * ci], preferred_element_type=jnp.float32)
                   + jnp.dot(a1, wstk_ref[2 * ci + 1], preferred_element_type=jnp.float32))
        gates.append(g + addc_ref[ci][None])
    si = jax.nn.sigmoid(gates[0])
    gi = jax.nn.sigmoid(gates[1])
    gt = jnp.tanh(gates[2])
    go = jax.nn.sigmoid(gates[3])
    cc = gi * si * gt
    c_ref[...] = cc
    h_ref[...] = go * jnp.tanh(cc)


def _fused_call(bstart, Xg, d2s, U, AD, Wstk, addc):
    grid_spec = pltpu.PrefetchScalarGridSpec(
        num_scalar_prefetch=1,
        grid=(NBLK,),
        in_specs=[
            pl.BlockSpec(memory_space=pl.ANY),
            pl.BlockSpec(memory_space=pl.ANY),
            pl.BlockSpec((D, 16), lambda b, s: (0, 0)),
            pl.BlockSpec((NB, 16), lambda b, s: (b, 0)),
            pl.BlockSpec((8, D, D), lambda b, s: (0, 0, 0)),
            pl.BlockSpec((8, D), lambda b, s: (0, 0)),
        ],
        out_specs=[
            pl.BlockSpec((NB, D), lambda b, s: (b, 0)),
            pl.BlockSpec((NB, D), lambda b, s: (b, 0)),
        ],
        scratch_shapes=[
            pltpu.VMEM((EC, D), jnp.float32),
            pltpu.VMEM((EC, 1), jnp.int32),
            pltpu.VMEM((8, NB, D), jnp.float32),
            pltpu.VMEM((NB, 16), jnp.float32),
            pltpu.SemaphoreType.DMA,
            pltpu.SemaphoreType.DMA,
        ],
    )
    return pl.pallas_call(
        _fused_body,
        grid_spec=grid_spec,
        out_shape=[
            jax.ShapeDtypeStruct((N, D), jnp.float32),
            jax.ShapeDtypeStruct((N, D), jnp.float32),
        ],
    )(bstart, Xg, d2s, U, AD, Wstk, addc)


def kernel(X, edge_index, intevrals, spans, Wc, a_src, a_dst, bc,
           W_ti, b_ti, W_ti1, b_ti1, W_ti2, W_ts, b_ts, W_ts1, b_ts1, b_gates):
    src = edge_index[0].astype(jnp.int32)
    dst = edge_index[1].astype(jnp.int32)
    loop = jnp.arange(N, dtype=jnp.int32)
    s2 = jnp.concatenate([src, loop])
    d2 = jnp.concatenate([dst, loop])
    key = d2 * 32768 + s2
    key = jnp.concatenate([key, jnp.full((EPAD - ET,), N * 32768, jnp.int32)])
    key = jnp.sort(key)
    d2s = key // 32768
    s2s = key - d2s * 32768
    bstart = jnp.searchsorted(
        d2s, jnp.arange(0, N + NB, NB, dtype=jnp.int32)).astype(jnp.int32)

    Xg = _sc_gather(X, s2s)

    Wstk = jnp.stack([Wc[c, :, h * D:(h + 1) * D] for c in LIVE for h in range(2)])
    AD, U, addc = _dense_prep(X, intevrals, spans, Wc, a_src, a_dst, bc,
                              W_ti, b_ti, W_ti2, W_ts, b_ts, W_ts1, b_ts1, b_gates)
    H, C = _fused_call(bstart, Xg, d2s[:, None], U, AD, Wstk, addc)
    return (H, C)

# --- scband reference (transcript-rebuilt; emitter-appended) ---
"""Pipeline reference for scband-galstm-30975304139537 (READ-ONLY COPY).

The authoritative reference and input builder live on the scoring server;
editing this copy changes nothing except your own understanding.
"""

import jax, jax.numpy as jnp
import numpy as np

N = 10000
E = 160000
D = 128
HEADS = 2
NCONV = 6  # conv_ti, conv_ts, conv_i, conv_f, conv_c, conv_o


def gat_conv(x, src, dst, W, a_src, a_dst, b):
    """PyG-style GATConv with heads=HEADS, concat=False (mean over heads), self-loops."""
    n = x.shape[0]
    xs = (x @ W).reshape(n, HEADS, D)
    alpha_s = (xs * a_src[None]).sum(-1)  # [N, H]
    alpha_d = (xs * a_dst[None]).sum(-1)  # [N, H]
    loop = jnp.arange(n)
    s2 = jnp.concatenate([src, loop])
    d2 = jnp.concatenate([dst, loop])
    e = alpha_s[s2] + alpha_d[d2]          # [E+N, H]
    e = jax.nn.leaky_relu(e, 0.2)
    m = jax.ops.segment_max(e, d2, num_segments=n)
    ex = jnp.exp(e - m[d2])
    den = jax.ops.segment_sum(ex, d2, num_segments=n)
    alpha = ex / (den[d2] + 1e-16)         # softmax over incoming edges per dst
    msg = xs[s2] * alpha[:, :, None]       # [E+N, H, D]
    out = jax.ops.segment_sum(msg, d2, num_segments=n)  # [N, H, D]
    return out.mean(axis=1) + b


def setup_inputs(seed: int = 0) -> dict:
    key = jax.random.key(seed)
    ks = jax.random.split(key, 16)
    X = jax.random.normal(ks[0], (N, D), dtype=jnp.float32)
    edge_index = jax.random.randint(ks[1], (2, E), 0, N, dtype=jnp.int64)
    intevrals = jax.random.uniform(ks[2], (N,), dtype=jnp.float32)
    spans = jax.random.uniform(ks[3], (N,), dtype=jnp.float32)
    # GATConv params stacked for the 6 convs
    Wc = jax.random.normal(ks[4], (NCONV, D, HEADS * D), dtype=jnp.float32) * 0.05
    a_src = jax.random.normal(ks[5], (NCONV, HEADS, D), dtype=jnp.float32) * 0.05
    a_dst = jax.random.normal(ks[6], (NCONV, HEADS, D), dtype=jnp.float32) * 0.05
    bc = jnp.zeros((NCONV, D), dtype=jnp.float32)
    # time interval / span params
    W_ti = jax.random.normal(ks[7], (1, D), dtype=jnp.float32) * 0.05
    b_ti = jnp.zeros((1, D), dtype=jnp.float32)
    W_ti1 = jax.random.normal(ks[8], (D, D), dtype=jnp.float32) * 0.05
    b_ti1 = jnp.zeros((1, D), dtype=jnp.float32)
    W_ti2 = jax.random.normal(ks[9], (D, D), dtype=jnp.float32) * 0.05
    W_ts = jax.random.normal(ks[10], (1, D), dtype=jnp.float32) * 0.05
    b_ts = jnp.zeros((1, D), dtype=jnp.float32)
    W_ts1 = jax.random.normal(ks[11], (D, D), dtype=jnp.float32) * 0.05
    b_ts1 = jnp.zeros((1, D), dtype=jnp.float32)
    # gate biases: b_i, b_f, b_c, b_o
    b_gates = jnp.zeros((4, D), dtype=jnp.float32)
    return {"X": X, "edge_index": edge_index, "intevrals": intevrals, "spans": spans,
            "Wc": Wc, "a_src": a_src, "a_dst": a_dst, "bc": bc,
            "W_ti": W_ti, "b_ti": b_ti, "W_ti1": W_ti1, "b_ti1": b_ti1, "W_ti2": W_ti2,
            "W_ts": W_ts, "b_ts": b_ts, "W_ts1": W_ts1, "b_ts1": b_ts1,
            "b_gates": b_gates}


def reference(X, edge_index, intevrals, spans, Wc, a_src, a_dst, bc,
              W_ti, b_ti, W_ti1, b_ti1, W_ti2, W_ts, b_ts, W_ts1, b_ts1, b_gates):
    src, dst = edge_index[0], edge_index[1]
    n = X.shape[0]
    H0 = jnp.zeros((n, D), dtype=X.dtype)  # _set_hidden_state (H is None -> zeros)
    C0 = jnp.zeros((n, D), dtype=X.dtype)  # _set_cell_state
    # _set_time_interval
    tif = jnp.tanh(intevrals[:, None] @ W_ti + b_ti)  # [N, D]
    ti = jax.nn.sigmoid(gat_conv(X, src, dst, Wc[0], a_src[0], a_dst[0], bc[0])
                        + jnp.mean(tif, axis=0) @ W_ti1 + b_ti1)
    # _set_time_span
    tsf = jnp.tanh(spans[:, None] @ W_ts + b_ts)
    si = jax.nn.sigmoid(gat_conv(X, src, dst, Wc[1], a_src[1], a_dst[1], bc[1])
                        + jnp.mean(tsf, axis=0) @ W_ts1 + b_ts1)
    # gates (last_edge_index is None on first call -> no H-path convs)
    I = jax.nn.sigmoid(gat_conv(X, src, dst, Wc[2], a_src[2], a_dst[2], bc[2]) + b_gates[0])
    F = jax.nn.sigmoid(gat_conv(X, src, dst, Wc[3], a_src[3], a_dst[3], bc[3]) + b_gates[1])
    T = jnp.tanh(gat_conv(X, src, dst, Wc[4], a_src[4], a_dst[4], bc[4]) + b_gates[2])
    C = F * ti * C0 + I * si * T
    tmean = jnp.mean(tif, axis=0)
    O = jax.nn.sigmoid(gat_conv(X, src, dst, Wc[5], a_src[5], a_dst[5], bc[5])
                       + tmean @ W_ti2 + tmean @ W_ti2 + b_gates[3])
    H = O * jnp.tanh(C)
    return (H, C)

if __name__ == "__main__":
    import jax
    _d = setup_inputs()
    print(jax.jit(kernel)(*tuple(_d.values())))

</pallas_src>

<mosaic_0001>
#map = affine_map<(d0, d1) -> (0, 0)>
#map1 = affine_map<(d0, d1) -> (0)>
module attributes {stable_mosaic.version = 14 : i64} {
  func.func @_gather_body(%arg0: i32, %arg1: i32, %arg2: memref<10000x128xf32, #tpu.memory_space<hbm>>, %arg3: memref<172032xi32, #tpu.memory_space<hbm>>, %arg4: memref<172032x128xf32, #tpu.memory_space<hbm>>, %arg5: memref<128xi32, #tpu.memory_space<vmem>>, %arg6: memref<128x128xf32, #tpu.memory_space<vmem>>, %arg7: memref<!tpu.dma_semaphore, #tpu.memory_space<semaphore_mem>>) attributes {dimension_semantics = [#tpu.dimension_semantics<core_parallel>, #tpu.dimension_semantics<subcore_parallel>], iteration_bounds = array<i64: 2, 16>, scalar_prefetch = 0 : i64, scratch_operands = 3 : i64, tpu.core_type = #tpu.core_type<sc_vector_subcore>, window_params = [{transform_indices = #map}, {transform_indices = #map1}, {transform_indices = #map}]} {
    %mul3A = arith.constant 16 : i32
    %mul3A_0 = arith.muli %arg0, %mul3A : i32
    %add3A = arith.addi %mul3A_0, %arg1 : i32
    %mul3A_1 = arith.constant 5376 : i32
    %mul3A_2 = arith.muli %add3A, %mul3A_1 : i32
    %scan3A = arith.constant 0 : i32
    %scan3A_3 = arith.constant 0 : i32
    %scan3A_4 = arith.constant 42 : i32
    %scan3A_5 = arith.addi %scan3A_3, %scan3A_4 : i32
    %scan3A_6 = arith.constant 1 : i32
    %scan3A_7 = scf.for %scan3A_9 = %scan3A_3 to %scan3A_5 step %scan3A_6 iter_args(%scan3A_10 = %scan3A) -> (i32)  : i32 {
      %mul3A_11 = arith.constant 128 : i32
      %mul3A_12 = arith.muli %scan3A_9, %mul3A_11 : i32
      %add3A_13 = arith.addi %mul3A_2, %mul3A_12 : i32
      "tpu.region"() ({
        %run_scoped3A = tpu.sem_alloc : memref<!tpu.dma_semaphore, #tpu.memory_space<semaphore_mem>>
        %dma_start3A_19 = tpu.memref_slice %arg3[%add3A_13] : memref<172032xi32, #tpu.memory_space<hbm>> -> memref<128xi32, #tpu.memory_space<hbm>>
        %dma_start3A_20 = tpu.memref_slice %arg3[%add3A_13] : memref<172032xi32, #tpu.memory_space<hbm>> -> memref<128xi32, #tpu.memory_space<hbm>>
        tpu.enqueue_dma source(%dma_start3A_20 : memref<128xi32, #tpu.memory_space<hbm>>) target(%arg5 : memref<128xi32, #tpu.memory_space<vmem>>) target_semaphore(%run_scoped3A : memref<!tpu.dma_semaphore, #tpu.memory_space<semaphore_mem>>)
        %dma_wait3A_21 = tpu.memref_slice %arg3[%add3A_13] : memref<172032xi32, #tpu.memory_space<hbm>> -> memref<128xi32, #tpu.memory_space<hbm>>
        %dma_wait3A_22 = tpu.memref_slice %arg3[%add3A_13] : memref<172032xi32, #tpu.memory_space<hbm>> -> memref<128xi32, #tpu.memory_space<hbm>>
        tpu.wait_dma2 semaphore(%run_scoped3A : memref<!tpu.dma_semaphore, #tpu.memory_space<semaphore_mem>>) src(%dma_wait3A_22 : memref<128xi32, #tpu.memory_space<hbm>>) dst(%arg5 : memref<128xi32, #tpu.memory_space<vmem>>)
        tpu.yield
      }) : () -> ()
      %dma_start3A = arith.constant 0 : i32
      %dma_start3A_14 = arith.constant 0 : i32
      %dma_start3A_15 = tpu.memref_slice %arg2[%dma_start3A, %dma_start3A_14] : memref<10000x128xf32, #tpu.memory_space<hbm>> -> memref<10000x128xf32, #tpu.memory_space<hbm>>
      tpu.enqueue_indirect_dma source(%dma_start3A_15 : memref<10000x128xf32, #tpu.memory_space<hbm>>) target(%arg6 : memref<128x128xf32, #tpu.memory_space<vmem>>) offsets(%arg5 : memref<128xi32, #tpu.memory_space<vmem>>) semaphore(%arg7 : memref<!tpu.dma_semaphore, #tpu.memory_space<semaphore_mem>>)
      %dma_wait3A = arith.constant 0 : i32
      %dma_wait3A_16 = arith.constant 0 : i32
      %dma_wait3A_17 = tpu.memref_slice %arg2[%dma_wait3A, %dma_wait3A_16] : memref<10000x128xf32, #tpu.memory_space<hbm>> -> memref<10000x128xf32, #tpu.memory_space<hbm>>
      tpu.wait_indirect_dma semaphore(%arg7 : memref<!tpu.dma_semaphore, #tpu.memory_space<semaphore_mem>>) src(%dma_wait3A_17 : memref<10000x128xf32, #tpu.memory_space<hbm>>) dst(%arg6 : memref<128x128xf32, #tpu.memory_space<vmem>>)
      "tpu.region"() ({
        %run_scoped3A = tpu.sem_alloc : memref<!tpu.dma_semaphore, #tpu.memory_space<semaphore_mem>>
        %dma_start3A_19 = arith.constant 0 : i32
        %dma_start3A_20 = tpu.memref_slice %arg4[%add3A_13, %dma_start3A_19] : memref<172032x128xf32, #tpu.memory_space<hbm>> -> memref<128x128xf32, #tpu.memory_space<hbm>>
        %dma_start3A_21 = arith.constant 0 : i32
        %dma_start3A_22 = tpu.memref_slice %arg4[%add3A_13, %dma_start3A_21] : memref<172032x128xf32, #tpu.memory_space<hbm>> -> memref<128x128xf32, #tpu.memory_space<hbm>>
        tpu.enqueue_dma source(%arg6 : memref<128x128xf32, #tpu.memory_space<vmem>>) target(%dma_start3A_22 : memref<128x128xf32, #tpu.memory_space<hbm>>) target_semaphore(%run_scoped3A : memref<!tpu.dma_semaphore, #tpu.memory_space<semaphore_mem>>)
        %dma_wait3A_23 = arith.constant 0 : i32
        %dma_wait3A_24 = tpu.memref_slice %arg4[%add3A_13, %dma_wait3A_23] : memref<172032x128xf32, #tpu.memory_space<hbm>> -> memref<128x128xf32, #tpu.memory_space<hbm>>
        %dma_wait3A_25 = arith.constant 0 : i32
        %dma_wait3A_26 = tpu.memref_slice %arg4[%add3A_13, %dma_wait3A_25] : memref<172032x128xf32, #tpu.memory_space<hbm>> -> memref<128x128xf32, #tpu.memory_space<hbm>>
        tpu.wait_dma2 semaphore(%run_scoped3A : memref<!tpu.dma_semaphore, #tpu.memory_space<semaphore_mem>>) src(%arg6 : memref<128x128xf32, #tpu.memory_space<vmem>>) dst(%dma_wait3A_26 : memref<128x128xf32, #tpu.memory_space<hbm>>)
        tpu.yield
      }) : () -> ()
      %scan3A_18 = arith.constant 0 : i32
      scf.yield %scan3A_18 : i32
    }
    %scan3A_8 = arith.constant 42 : i32
    return
  }
}

module attributes {stable_mosaic.version = 14 : i64} {
  func.func @_prep_body(%arg0: memref<10000x128xf32, #tpu.memory_space<vmem>>, %arg1: memref<10000x1xf32, #tpu.memory_space<vmem>>, %arg2: memref<10000x1xf32, #tpu.memory_space<vmem>>, %arg3: memref<6x128x256xf32, #tpu.memory_space<vmem>>, %arg4: memref<6x2x128xf32, #tpu.memory_space<vmem>>, %arg5: memref<6x2x128xf32, #tpu.memory_space<vmem>>, %arg6: memref<6x128xf32, #tpu.memory_space<vmem>>, %arg7: memref<1x128xf32, #tpu.memory_space<vmem>>, %arg8: memref<1x128xf32, #tpu.memory_space<vmem>>, %arg9: memref<128x128xf32, #tpu.memory_space<vmem>>, %arg10: memref<1x128xf32, #tpu.memory_space<vmem>>, %arg11: memref<1x128xf32, #tpu.memory_space<vmem>>, %arg12: memref<128x128xf32, #tpu.memory_space<vmem>>, %arg13: memref<1x128xf32, #tpu.memory_space<vmem>>, %arg14: memref<4x128xf32, #tpu.memory_space<vmem>>, %arg15: memref<10000x16xf32, #tpu.memory_space<vmem>>, %arg16: memref<128x16xf32, #tpu.memory_space<vmem>>, %arg17: memref<8x128xf32, #tpu.memory_space<vmem>>) attributes {dimension_semantics = [], scalar_prefetch = 0 : i64, scratch_operands = 0 : i64, tpu.core_type = #tpu.core_type<tc>} {
    %get3A = arith.constant 0 : index
    %get3A_0 = arith.constant 0 : index
    %get3A_1 = vector.load %arg0[%get3A, %get3A_0] : memref<10000x128xf32, #tpu.memory_space<vmem>>, vector<10000x128xf32>
    %get3A_2 = arith.constant 1 : index
    %get3A_3 = arith.constant 0 : index
    %get3A_4 = arith.constant 0 : index
    %get3A_5 = vector.load %arg3[%get3A_2, %get3A_3, %get3A_4] : memref<6x128x256xf32, #tpu.memory_space<vmem>>, vector<1x128x128xf32>
    %get3A_6 = vector.shape_cast %get3A_5 : vector<1x128x128xf32> to vector<128x128xf32>
    %get3A_7 = arith.constant 1 : index
    %get3A_8 = arith.constant 0 : index
    %get3A_9 = arith.constant 0 : index
    %get3A_10 = vector.load %arg4[%get3A_7, %get3A_8, %get3A_9] : memref<6x2x128xf32, #tpu.memory_space<vmem>>, vector<1x1x128xf32>
    %get3A_11 = vector.shape_cast %get3A_10 : vector<1x1x128xf32> to vector<128xf32>
    %broadcast_in_dim3A = vector.shape_cast %get3A_11 : vector<128xf32> to vector<128x1xf32>
    %dot_general3A = arith.constant dense<0.000000e+00> : vector<128x1xf32>
    %dot_general3A_12 = tpu.matmul %get3A_6, %broadcast_in_dim3A, %dot_general3A {dimension_numbers = #tpu.dot_dimension_numbers<[1], [0], [0], [1], [0, 0, 1, 1], [], []>, transpose_lhs_hint = false} : vector<128x128xf32>, vector<128x1xf32>, vector<128x1xf32> -> vector<128x1xf32>
    %get3A_13 = arith.constant 1 : index
    %get3A_14 = arith.constant 0 : index
    %get3A_15 = arith.constant 0 : index
    %get3A_16 = vector.load %arg5[%get3A_13, %get3A_14, %get3A_15] : memref<6x2x128xf32, #tpu.memory_space<vmem>>, vector<1x1x128xf32>
    %get3A_17 = vector.shape_cast %get3A_16 : vector<1x1x128xf32> to vector<128xf32>
    %broadcast_in_dim3A_18 = vector.shape_cast %get3A_17 : vector<128xf32> to vector<128x1xf32>
    %dot_general3A_19 = arith.constant dense<0.000000e+00> : vector<128x1xf32>
    %dot_general3A_20 = tpu.matmul %get3A_6, %broadcast_in_dim3A_18, %dot_general3A_19 {dimension_numbers = #tpu.dot_dimension_numbers<[1], [0], [0], [1], [0, 0, 1, 1], [], []>, transpose_lhs_hint = false} : vector<128x128xf32>, vector<128x1xf32>, vector<128x1xf32> -> vector<128x1xf32>
    %get3A_21 = arith.constant 1 : index
    %get3A_22 = arith.constant 0 : index
    %get3A_23 = arith.constant 128 : index
    %get3A_24 = vector.load %arg3[%get3A_21, %get3A_22, %get3A_23] : memref<6x128x256xf32, #tpu.memory_space<vmem>>, vector<1x128x128xf32>
    %get3A_25 = vector.shape_cast %get3A_24 : vector<1x128x128xf32> to vector<128x128xf32>
    %get3A_26 = arith.constant 1 : index
    %get3A_27 = arith.constant 1 : index
    %get3A_28 = arith.constant 0 : index
    %get3A_29 = vector.load %arg4[%get3A_26, %get3A_27, %get3A_28] : memref<6x2x128xf32, #tpu.memory_space<vmem>>, vector<1x1x128xf32>
    %get3A_30 = vector.shape_cast %get3A_29 : vector<1x1x128xf32> to vector<128xf32>
    %broadcast_in_dim3A_31 = vector.shape_cast %get3A_30 : vector<128xf32> to vector<128x1xf32>
    %dot_general3A_32 = arith.constant dense<0.000000e+00> : vector<128x1xf32>
    %dot_general3A_33 = tpu.matmul %get3A_25, %broadcast_in_dim3A_31, %dot_general3A_32 {dimension_numbers = #tpu.dot_dimension_numbers<[1], [0], [0], [1], [0, 0, 1, 1], [], []>, transpose_lhs_hint = false} : vector<128x128xf32>, vector<128x1xf32>, vector<128x1xf32> -> vector<128x1xf32>
    %get3A_34 = arith.constant 1 : index
    %get3A_35 = arith.constant 1 : index
    %get3A_36 = arith.constant 0 : index
    %get3A_37 = vector.load %arg5[%get3A_34, %get3A_35, %get3A_36] : memref<6x2x128xf32, #tpu.memory_space<vmem>>, vector<1x1x128xf32>
    %get3A_38 = vector.shape_cast %get3A_37 : vector<1x1x128xf32> to vector<128xf32>
    %broadcast_in_dim3A_39 = vector.shape_cast %get3A_38 : vector<128xf32> to vector<128x1xf32>
    %dot_general3A_40 = arith.constant dense<0.000000e+00> : vector<128x1xf32>
    %dot_general3A_41 = tpu.matmul %get3A_25, %broadcast_in_dim3A_39, %dot_general3A_40 {dimension_numbers = #tpu.dot_dimension_numbers<[1], [0], [0], [1], [0, 0, 1, 1], [], []>, transpose_lhs_hint = false} : vector<128x128xf32>, vector<128x1xf32>, vector<128x1xf32> -> vector<128x1xf32>
    %get3A_42 = arith.constant 2 : index
    %get3A_43 = arith.constant 0 : index
    %get3A_44 = arith.constant 0 : index
    %get3A_45 = vector.load %arg3[%get3A_42, %get3A_43, %get3A_44] : memref<6x128x256xf32, #tpu.memory_space<vmem>>, vector<1x128x128xf32>
    %get3A_46 = vector.shape_cast %get3A_45 : vector<1x128x128xf32> to vector<128x128xf32>
    %get3A_47 = arith.constant 2 : index
    %get3A_48 = arith.constant 0 : index
    %get3A_49 = arith.constant 0 : index
    %get3A_50 = vector.load %arg4[%get3A_47, %get3A_48, %get3A_49] : memref<6x2x128xf32, #tpu.memory_space<vmem>>, vector<1x1x128xf32>
    %get3A_51 = vector.shape_cast %get3A_50 : vector<1x1x128xf32> to vector<128xf32>
    %broadcast_in_dim3A_52 = vector.shape_cast %get3A_51 : vector<128xf32> to vector<128x1xf32>
    %dot_general3A_53 = arith.constant dense<0.000000e+00> : vector<128x1xf32>
    %dot_general3A_54 = tpu.matmul %get3A_46, %broadcast_in_dim3A_52, %dot_general3A_53 {dimension_numbers = #tpu.dot_dimension_numbers<[1], [0], [0], [1], [0, 0, 1, 1], [], []>, transpose_lhs_hint = false} : vector<128x128xf32>, vector<128x1xf32>, vector<128x1xf32> -> vector<128x1xf32>
    %get3A_55 = arith.constant 2 : index
    %get3A_56 = arith.constant 0 : index
    %get3A_57 = arith.constant 0 : index
    %get3A_58 = vector.load %arg5[%get3A_55, %get3A_56, %get3A_57] : memref<6x2x128xf32, #tpu.memory_space<vmem>>, vector<1x1x128xf32>
    %get3A_59 = vector.shape_cast %get3A_58 : vector<1x1x128xf32> to vector<128xf32>
    %broadcast_in_dim3A_60 = vector.shape_cast %get3A_59 : vector<128xf32> to vector<128x1xf32>
    %dot_general3A_61 = arith.constant dense<0.000000e+00> : vector<128x1xf32>
    %dot_general3A_62 = tpu.matmul %get3A_46, %broadcast_in_dim3A_60, %dot_general3A_61 {dimension_numbers = #tpu.dot_dimension_numbers<[1], [0], [0], [1], [0, 0, 1, 1], [], []>, transpose_lhs_hint = false} : vector<128x128xf32>, vector<128x1xf32>, vector<128x1xf32> -> vector<128x1xf32>
    %get3A_63 = arith.constant 2 : index
    %get3A_64 = arith.constant 0 : index
    %get3A_65 = arith.constant 128 : index
    %get3A_66 = vector.load %arg3[%get3A_63, %get3A_64, %get3A_65] : memref<6x128x256xf32, #tpu.memory_space<vmem>>, vector<1x128x128xf32>
    %get3A_67 = vector.shape_cast %get3A_66 : vector<1x128x128xf32> to vector<128x128xf32>
    %get3A_68 = arith.constant 2 : index
    %get3A_69 = arith.constant 1 : index
    %get3A_70 = arith.constant 0 : index
    %get3A_71 = vector.load %arg4[%get3A_68, %get3A_69, %get3A_70] : memref<6x2x128xf32, #tpu.memory_space<vmem>>, vector<1x1x128xf32>
    %get3A_72 = vector.shape_cast %get3A_71 : vector<1x1x128xf32> to vector<128xf32>
    %broadcast_in_dim3A_73 = vector.shape_cast %get3A_72 : vector<128xf32> to vector<128x1xf32>
    %dot_general3A_74 = arith.constant dense<0.000000e+00> : vector<128x1xf32>
    %dot_general3A_75 = tpu.matmul %get3A_67, %broadcast_in_dim3A_73, %dot_general3A_74 {dimension_numbers = #tpu.dot_dimension_numbers<[1], [0], [0], [1], [0, 0, 1, 1], [], []>, transpose_lhs_hint = false} : vector<128x128xf32>, vector<128x1xf32>, vector<128x1xf32> -> vector<128x1xf32>
    %get3A_76 = arith.constant 2 : index
    %get3A_77 = arith.constant 1 : index
    %get3A_78 = arith.constant 0 : index
    %get3A_79 = vector.load %arg5[%get3A_76, %get3A_77, %get3A_78] : memref<6x2x128xf32, #tpu.memory_space<vmem>>, vector<1x1x128xf32>
    %get3A_80 = vector.shape_cast %get3A_79 : vector<1x1x128xf32> to vector<128xf32>
    %broadcast_in_dim3A_81 = vector.shape_cast %get3A_80 : vector<128xf32> to vector<128x1xf32>
    %dot_general3A_82 = arith.constant dense<0.000000e+00> : vector<128x1xf32>
    %dot_general3A_83 = tpu.matmul %get3A_67, %broadcast_in_dim3A_81, %dot_general3A_82 {dimension_numbers = #tpu.dot_dimension_numbers<[1], [0], [0], [1], [0, 0, 1, 1], [], []>, transpose_lhs_hint = false} : vector<128x128xf32>, vector<128x1xf32>, vector<128x1xf32> -> vector<128x1xf32>
    %get3A_84 = arith.constant 4 : index
    %get3A_85 = arith.constant 0 : index
    %get3A_86 = arith.constant 0 : index
    %get3A_87 = vector.load %arg3[%get3A_84, %get3A_85, %get3A_86] : memref<6x128x256xf32, #tpu.memory_space<vmem>>, vector<1x128x128xf32>
    %get3A_88 = vector.shape_cast %get3A_87 : vector<1x128x128xf32> to vector<128x128xf32>
    %get3A_89 = arith.constant 4 : index
    %get3A_90 = arith.constant 0 : index
    %get3A_91 = arith.constant 0 : index
    %get3A_92 = vector.load %arg4[%get3A_89, %get3A_90, %get3A_91] : memref<6x2x128xf32, #tpu.memory_space<vmem>>, vector<1x1x128xf32>
    %get3A_93 = vector.shape_cast %get3A_92 : vector<1x1x128xf32> to vector<128xf32>
    %broadcast_in_dim3A_94 = vector.shape_cast %get3A_93 : vector<128xf32> to vector<128x1xf32>
    %dot_general3A_95 = arith.constant dense<0.000000e+00> : vector<128x1xf32>
    %dot_general3A_96 = tpu.matmul %get3A_88, %broadcast_in_dim3A_94, %dot_general3A_95 {dimension_numbers = #tpu.dot_dimension_numbers<[1], [0], [0], [1], [0, 0, 1, 1], [], []>, transpose_lhs_hint = false} : vector<128x128xf32>, vector<128x1xf32>, vector<128x1xf32> -> vector<128x1xf32>
    %get3A_97 = arith.constant 4 : index
    %get3A_98 = arith.constant 0 : index
    %get3A_99 = arith.constant 0 : index
    %get3A_100 = vector.load %arg5[%get3A_97, %get3A_98, %get3A_99] : memref<6x2x128xf32, #tpu.memory_space<vmem>>, vector<1x1x128xf32>
    %get3A_101 = vector.shape_cast %get3A_100 : vector<1x1x128xf32> to vector<128xf32>
    %broadcast_in_dim3A_102 = vector.shape_cast %get3A_101 : vector<128xf32> to vector<128x1xf32>
    %dot_general3A_103 = arith.constant dense<0.000000e+00> : vector<128x1xf32>
    %dot_general3A_104 = tpu.matmul %get3A_88, %broadcast_in_dim3A_102, %dot_general3A_103 {dimension_numbers = #tpu.dot_dimension_numbers<[1], [0], [0], [1], [0, 0, 1, 1], [], []>, transpose_lhs_hint = false} : vector<128x128xf32>, vector<128x1xf32>, vector<128x1xf32> -> vector<128x1xf32>
    %get3A_105 = arith.constant 4 : index
    %get3A_106 = arith.constant 0 : index
    %get3A_107 = arith.constant 128 : index
    %get3A_108 = vector.load %arg3[%get3A_105, %get3A_106, %get3A_107] : memref<6x128x256xf32, #tpu.memory_space<vmem>>, vector<1x128x128xf32>
    %get3A_109 = vector.shape_cast %get3A_108 : vector<1x128x128xf32> to vector<128x128xf32>
    %get3A_110 = arith.constant 4 : index
    %get3A_111 = arith.constant 1 : index
    %get3A_112 = arith.constant 0 : index
    %get3A_113 = vector.load %arg4[%get3A_110, %get3A_111, %get3A_112] : memref<6x2x128xf32, #tpu.memory_space<vmem>>, vector<1x1x128xf32>
    %get3A_114 = vector.shape_cast %get3A_113 : vector<1x1x128xf32> to vector<128xf32>
    %broadcast_in_dim3A_115 = vector.shape_cast %get3A_114 : vector<128xf32> to vector<128x1xf32>
    %dot_general3A_116 = arith.constant dense<0.000000e+00> : vector<128x1xf32>
    %dot_general3A_117 = tpu.matmul %get3A_109, %broadcast_in_dim3A_115, %dot_general3A_116 {dimension_numbers = #tpu.dot_dimension_numbers<[1], [0], [0], [1], [0, 0, 1, 1], [], []>, transpose_lhs_hint = false} : vector<128x128xf32>, vector<128x1xf32>, vector<128x1xf32> -> vector<128x1xf32>
    %get3A_118 = arith.constant 4 : index
    %get3A_119 = arith.constant 1 : index
    %get3A_120 = arith.constant 0 : index
    %get3A_121 = vector.load %arg5[%get3A_118, %get3A_119, %get3A_120] : memref<6x2x128xf32, #tpu.memory_space<vmem>>, vector<1x1x128xf32>
    %get3A_122 = vector.shape_cast %get3A_121 : vector<1x1x128xf32> to vector<128xf32>
    %broadcast_in_dim3A_123 = vector.shape_cast %get3A_122 : vector<128xf32> to vector<128x1xf32>
    %dot_general3A_124 = arith.constant dense<0.000000e+00> : vector<128x1xf32>
    %dot_general3A_125 = tpu.matmul %get3A_109, %broadcast_in_dim3A_123, %dot_general3A_124 {dimension_numbers = #tpu.dot_dimension_numbers<[1], [0], [0], [1], [0, 0, 1, 1], [], []>, transpose_lhs_hint = false} : vector<128x128xf32>, vector<128x1xf32>, vector<128x1xf32> -> vector<128x1xf32>
    %get3A_126 = arith.constant 5 : index
    %get3A_127 = arith.constant 0 : index
    %get3A_128 = arith.constant 0 : index
    %get3A_129 = vector.load %arg3[%get3A_126, %get3A_127, %get3A_128] : memref<6x128x256xf32, #tpu.memory_space<vmem>>, vector<1x128x128xf32>
    %get3A_130 = vector.shape_cast %get3A_129 : vector<1x128x128xf32> to vector<128x128xf32>
    %get3A_131 = arith.constant 5 : index
    %get3A_132 = arith.constant 0 : index
    %get3A_133 = arith.constant 0 : index
    %get3A_134 = vector.load %arg4[%get3A_131, %get3A_132, %get3A_133] : memref<6x2x128xf32, #tpu.memory_space<vmem>>, vector<1x1x128xf32>
    %get3A_135 = vector.shape_cast %get3A_134 : vector<1x1x128xf32> to vector<128xf32>
    %broadcast_in_dim3A_136 = vector.shape_cast %get3A_135 : vector<128xf32> to vector<128x1xf32>
    %dot_general3A_137 = arith.constant dense<0.000000e+00> : vector<128x1xf32>
    %dot_general3A_138 = tpu.matmul %get3A_130, %broadcast_in_dim3A_136, %dot_general3A_137 {dimension_numbers = #tpu.dot_dimension_numbers<[1], [0], [0], [1], [0, 0, 1, 1], [], []>, transpose_lhs_hint = false} : vector<128x128xf32>, vector<128x1xf32>, vector<128x1xf32> -> vector<128x1xf32>
    %get3A_139 = arith.constant 5 : index
    %get3A_140 = arith.constant 0 : index
    %get3A_141 = arith.constant 0 : index
    %get3A_142 = vector.load %arg5[%get3A_139, %get3A_140, %get3A_141] : memref<6x2x128xf32, #tpu.memory_space<vmem>>, vector<1x1x128xf32>
    %get3A_143 = vector.shape_cast %get3A_142 : vector<1x1x128xf32> to vector<128xf32>
    %broadcast_in_dim3A_144 = vector.shape_cast %get3A_143 : vector<128xf32> to vector<128x1xf32>
    %dot_general3A_145 = arith.constant dense<0.000000e+00> : vector<128x1xf32>
    %dot_general3A_146 = tpu.matmul %get3A_130, %broadcast_in_dim3A_144, %dot_general3A_145 {dimension_numbers = #tpu.dot_dimension_numbers<[1], [0], [0], [1], [0, 0, 1, 1], [], []>, transpose_lhs_hint = false} : vector<128x128xf32>, vector<128x1xf32>, vector<128x1xf32> -> vector<128x1xf32>
    %get3A_147 = arith.constant 5 : index
    %get3A_148 = arith.constant 0 : index
    %get3A_149 = arith.constant 128 : index
    %get3A_150 = vector.load %arg3[%get3A_147, %get3A_148, %get3A_149] : memref<6x128x256xf32, #tpu.memory_space<vmem>>, vector<1x128x128xf32>
    %get3A_151 = vector.shape_cast %get3A_150 : vector<1x128x128xf32> to vector<128x128xf32>
    %get3A_152 = arith.constant 5 : index
    %get3A_153 = arith.constant 1 : index
    %get3A_154 = arith.constant 0 : index
    %get3A_155 = vector.load %arg4[%get3A_152, %get3A_153, %get3A_154] : memref<6x2x128xf32, #tpu.memory_space<vmem>>, vector<1x1x128xf32>
    %get3A_156 = vector.shape_cast %get3A_155 : vector<1x1x128xf32> to vector<128xf32>
    %broadcast_in_dim3A_157 = vector.shape_cast %get3A_156 : vector<128xf32> to vector<128x1xf32>
    %dot_general3A_158 = arith.constant dense<0.000000e+00> : vector<128x1xf32>
    %dot_general3A_159 = tpu.matmul %get3A_151, %broadcast_in_dim3A_157, %dot_general3A_158 {dimension_numbers = #tpu.dot_dimension_numbers<[1], [0], [0], [1], [0, 0, 1, 1], [], []>, transpose_lhs_hint = false} : vector<128x128xf32>, vector<128x1xf32>, vector<128x1xf32> -> vector<128x1xf32>
    %get3A_160 = arith.constant 5 : index
    %get3A_161 = arith.constant 1 : index
    %get3A_162 = arith.constant 0 : index
    %get3A_163 = vector.load %arg5[%get3A_160, %get3A_161, %get3A_162] : memref<6x2x128xf32, #tpu.memory_space<vmem>>, vector<1x1x128xf32>
    %get3A_164 = vector.shape_cast %get3A_163 : vector<1x1x128xf32> to vector<128xf32>
    %broadcast_in_dim3A_165 = vector.shape_cast %get3A_164 : vector<128xf32> to vector<128x1xf32>
    %dot_general3A_166 = arith.constant dense<0.000000e+00> : vector<128x1xf32>
    %dot_general3A_167 = tpu.matmul %get3A_151, %broadcast_in_dim3A_165, %dot_general3A_166 {dimension_numbers = #tpu.dot_dimension_numbers<[1], [0], [0], [1], [0, 0, 1, 1], [], []>, transpose_lhs_hint = false} : vector<128x128xf32>, vector<128x1xf32>, vector<128x1xf32> -> vector<128x1xf32>
    %broadcast_in_dim3A_168 = arith.constant 0.000000e+00 : f32
    %broadcast_in_dim3A_169 = vector.broadcast %broadcast_in_dim3A_168 : f32 to vector<128x8xf32>
    %concatenate3A = tpu.concatenate %dot_general3A_12, %dot_general3A_33, %dot_general3A_54, %dot_general3A_75, %dot_general3A_96, %dot_general3A_117, %dot_general3A_138, %dot_general3A_159, %broadcast_in_dim3A_169 in 1 : vector<128x1xf32>, vector<128x1xf32>, vector<128x1xf32>, vector<128x1xf32>, vector<128x1xf32>, vector<128x1xf32>, vector<128x1xf32>, vector<128x1xf32>, vector<128x8xf32> -> vector<128x16xf32>
    %concatenate3A_170 = tpu.concatenate %dot_general3A_20, %dot_general3A_41, %dot_general3A_62, %dot_general3A_83, %dot_general3A_104, %dot_general3A_125, %dot_general3A_146, %dot_general3A_167, %broadcast_in_dim3A_169 in 1 : vector<128x1xf32>, vector<128x1xf32>, vector<128x1xf32>, vector<128x1xf32>, vector<128x1xf32>, vector<128x1xf32>, vector<128x1xf32>, vector<128x1xf32>, vector<128x8xf32> -> vector<128x16xf32>
    %swap3A = arith.constant 0 : index
    %swap3A_171 = arith.constant 0 : index
    %swap3A_172 = vector.load %arg16[%swap3A, %swap3A_171] : memref<128x16xf32, #tpu.memory_space<vmem>>, vector<128x16xf32>
    tpu.vector_store %arg16[%swap3A, %swap3A_171], %concatenate3A {strides = array<i32>} : memref<128x16xf32, #tpu.memory_space<vmem>>, vector<128x16xf32>,
    %dot_general3A_173 = arith.constant dense<0.000000e+00> : vector<10000x16xf32>
    %dot_general3A_174 = tpu.matmul %get3A_1, %concatenate3A_170, %dot_general3A_173 {dimension_numbers = #tpu.dot_dimension_numbers<[1], [0], [0], [1], [0, 0, 1, 1], [], []>, transpose_lhs_hint = false} : vector<10000x128xf32>, vector<128x16xf32>, vector<10000x16xf32> -> vector<10000x16xf32>
    %swap3A_175 = arith.constant 0 : index
    %swap3A_176 = arith.constant 0 : index
    %swap3A_177 = vector.load %arg15[%swap3A_175, %swap3A_176] : memref<10000x16xf32, #tpu.memory_space<vmem>>, vector<10000x16xf32>
    tpu.vector_store %arg15[%swap3A_175, %swap3A_176], %dot_general3A_174 {strides = array<i32>} : memref<10000x16xf32, #tpu.memory_space<vmem>>, vector<10000x16xf32>,
    %get3A_178 = arith.constant 0 : index
    %get3A_179 = arith.constant 0 : index
    %get3A_180 = vector.load %arg1[%get3A_178, %get3A_179] : memref<10000x1xf32, #tpu.memory_space<vmem>>, vector<10000x1xf32>
    %get3A_181 = arith.constant 0 : index
    %get3A_182 = arith.constant 0 : index
    %get3A_183 = vector.load %arg7[%get3A_181, %get3A_182] : memref<1x128xf32, #tpu.memory_space<vmem>>, vector<1x128xf32>
    %mul3A = vector.broadcast %get3A_180 : vector<10000x1xf32> to vector<10000x128xf32>
    %mul3A_184 = vector.broadcast %get3A_183 : vector<1x128xf32> to vector<10000x128xf32>
    %mul3A_185 = arith.mulf %mul3A, %mul3A_184 : vector<10000x128xf32>
    %get3A_186 = arith.constant 0 : index
    %get3A_187 = arith.constant 0 : index
    %get3A_188 = vector.load %arg8[%get3A_186, %get3A_187] : memref<1x128xf32, #tpu.memory_space<vmem>>, vector<1x128xf32>
    %add3A = vector.broadcast %get3A_188 : vector<1x128xf32> to vector<10000x128xf32>
    %add3A_189 = arith.addf %mul3A_185, %add3A : vector<10000x128xf32>
    %tanh3A = math.tanh %add3A_189 : vector<10000x128xf32>
    %reduce_sum3A = arith.constant dense<0.000000e+00> : vector<128xf32>
    %reduce_sum3A_190 = vector.multi_reduction <add>, %tanh3A, %reduce_sum3A [0] : vector<10000x128xf32> to vector<128xf32>
    %broadcast_in_dim3A_191 = vector.shape_cast %reduce_sum3A_190 : vector<128xf32> to vector<1x128xf32>
    %div3A = arith.constant 1.000000e+04 : f32
    %div3A_192 = vector.broadcast %div3A : f32 to vector<1x128xf32>
    %div3A_193 = arith.divf %broadcast_in_dim3A_191, %div3A_192 : vector<1x128xf32>
    %get3A_194 = arith.constant 0 : index
    %get3A_195 = arith.constant 0 : index
    %get3A_196 = vector.load %arg2[%get3A_194, %get3A_195] : memref<10000x1xf32, #tpu.memory_space<vmem>>, vector<10000x1xf32>
    %get3A_197 = arith.constant 0 : index
    %get3A_198 = arith.constant 0 : index
    %get3A_199 = vector.load %arg10[%get3A_197, %get3A_198] : memref<1x128xf32, #tpu.memory_space<vmem>>, vector<1x128xf32>
    %mul3A_200 = vector.broadcast %get3A_196 : vector<10000x1xf32> to vector<10000x128xf32>
    %mul3A_201 = vector.broadcast %get3A_199 : vector<1x128xf32> to vector<10000x128xf32>
    %mul3A_202 = arith.mulf %mul3A_200, %mul3A_201 : vector<10000x128xf32>
    %get3A_203 = arith.constant 0 : index
    %get3A_204 = arith.constant 0 : index
    %get3A_205 = vector.load %arg11[%get3A_203, %get3A_204] : memref<1x128xf32, #tpu.memory_space<vmem>>, vector<1x128xf32>
    %add3A_206 = vector.broadcast %get3A_205 : vector<1x128xf32> to vector<10000x128xf32>
    %add3A_207 = arith.addf %mul3A_202, %add3A_206 : vector<10000x128xf32>
    %tanh3A_208 = math.tanh %add3A_207 : vector<10000x128xf32>
    %reduce_sum3A_209 = arith.constant dense<0.000000e+00> : vector<128xf32>
    %reduce_sum3A_210 = vector.multi_reduction <add>, %tanh3A_208, %reduce_sum3A_209 [0] : vector<10000x128xf32> to vector<128xf32>
    %broadcast_in_dim3A_211 = vector.shape_cast %reduce_sum3A_210 : vector<128xf32> to vector<1x128xf32>
    %div3A_212 = arith.constant 1.000000e+04 : f32
    %div3A_213 = vector.broadcast %div3A_212 : f32 to vector<1x128xf32>
    %div3A_214 = arith.divf %broadcast_in_dim3A_211, %div3A_213 : vector<1x128xf32>
    %get3A_215 = arith.constant 1 : index
    %get3A_216 = arith.constant 0 : index
    %get3A_217 = vector.load %arg6[%get3A_215, %get3A_216] : memref<6x128xf32, #tpu.memory_space<vmem>>, vector<1x128xf32>
    %get3A_218 = vector.shape_cast %get3A_217 : vector<1x128xf32> to vector<128xf32>
    %broadcast_in_dim3A_219 = vector.shape_cast %get3A_218 : vector<128xf32> to vector<1x128xf32>
    %get3A_220 = arith.constant 0 : index
    %get3A_221 = arith.constant 0 : index
    %get3A_222 = vector.load %arg13[%get3A_220, %get3A_221] : memref<1x128xf32, #tpu.memory_space<vmem>>, vector<1x128xf32>
    %add3A_223 = arith.addf %broadcast_in_dim3A_219, %get3A_222 : vector<1x128xf32>
    %get3A_224 = arith.constant 0 : index
    %get3A_225 = arith.constant 0 : index
    %get3A_226 = vector.load %arg12[%get3A_224, %get3A_225] : memref<128x128xf32, #tpu.memory_space<vmem>>, vector<128x128xf32>
    %dot_general3A_227 = arith.constant dense<0.000000e+00> : vector<1x128xf32>
    %dot_general3A_228 = tpu.matmul %div3A_214, %get3A_226, %dot_general3A_227 {dimension_numbers = #tpu.dot_dimension_numbers<[1], [0], [0], [1], [0, 0, 1, 1], [], []>, transpose_lhs_hint = false} : vector<1x128xf32>, vector<128x128xf32>, vector<1x128xf32> -> vector<1x128xf32>
    %add3A_229 = arith.addf %add3A_223, %dot_general3A_228 : vector<1x128xf32>
    %get3A_230 = arith.constant 2 : index
    %get3A_231 = arith.constant 0 : index
    %get3A_232 = vector.load %arg6[%get3A_230, %get3A_231] : memref<6x128xf32, #tpu.memory_space<vmem>>, vector<1x128xf32>
    %get3A_233 = vector.shape_cast %get3A_232 : vector<1x128xf32> to vector<128xf32>
    %broadcast_in_dim3A_234 = vector.shape_cast %get3A_233 : vector<128xf32> to vector<1x128xf32>
    %get3A_235 = arith.constant 0 : index
    %get3A_236 = arith.constant 0 : index
    %get3A_237 = vector.load %arg14[%get3A_235, %get3A_236] : memref<4x128xf32, #tpu.memory_space<vmem>>, vector<1x128xf32>
    %get3A_238 = vector.shape_cast %get3A_237 : vector<1x128xf32> to vector<128xf32>
    %broadcast_in_dim3A_239 = vector.shape_cast %get3A_238 : vector<128xf32> to vector<1x128xf32>
    %add3A_240 = arith.addf %broadcast_in_dim3A_234, %broadcast_in_dim3A_239 : vector<1x128xf32>
    %get3A_241 = arith.constant 4 : index
    %get3A_242 = arith.constant 0 : index
    %get3A_243 = vector.load %arg6[%get3A_241, %get3A_242] : memref<6x128xf32, #tpu.memory_space<vmem>>, vector<1x128xf32>
    %get3A_244 = vector.shape_cast %get3A_243 : vector<1x128xf32> to vector<128xf32>
    %broadcast_in_dim3A_245 = vector.shape_cast %get3A_244 : vector<128xf32> to vector<1x128xf32>
    %get3A_246 = arith.constant 2 : index
    %get3A_247 = arith.constant 0 : index
    %get3A_248 = vector.load %arg14[%get3A_246, %get3A_247] : memref<4x128xf32, #tpu.memory_space<vmem>>, vector<1x128xf32>
    %get3A_249 = vector.shape_cast %get3A_248 : vector<1x128xf32> to vector<128xf32>
    %broadcast_in_dim3A_250 = vector.shape_cast %get3A_249 : vector<128xf32> to vector<1x128xf32>
    %add3A_251 = arith.addf %broadcast_in_dim3A_245, %broadcast_in_dim3A_250 : vector<1x128xf32>
    %get3A_252 = arith.constant 5 : index
    %get3A_253 = arith.constant 0 : index
    %get3A_254 = vector.load %arg6[%get3A_252, %get3A_253] : memref<6x128xf32, #tpu.memory_space<vmem>>, vector<1x128xf32>
    %get3A_255 = vector.shape_cast %get3A_254 : vector<1x128xf32> to vector<128xf32>
    %broadcast_in_dim3A_256 = vector.shape_cast %get3A_255 : vector<128xf32> to vector<1x128xf32>
    %get3A_257 = arith.constant 3 : index
    %get3A_258 = arith.constant 0 : index
    %get3A_259 = vector.load %arg14[%get3A_257, %get3A_258] : memref<4x128xf32, #tpu.memory_space<vmem>>, vector<1x128xf32>
    %get3A_260 = vector.shape_cast %get3A_259 : vector<1x128xf32> to vector<128xf32>
    %broadcast_in_dim3A_261 = vector.shape_cast %get3A_260 : vector<128xf32> to vector<1x128xf32>
    %add3A_262 = arith.addf %broadcast_in_dim3A_256, %broadcast_in_dim3A_261 : vector<1x128xf32>
    %get3A_263 = arith.constant 0 : index
    %get3A_264 = arith.constant 0 : index
    %get3A_265 = vector.load %arg9[%get3A_263, %get3A_264] : memref<128x128xf32, #tpu.memory_space<vmem>>, vector<128x128xf32>
    %dot_general3A_266 = arith.constant dense<0.000000e+00> : vector<1x128xf32>
    %dot_general3A_267 = tpu.matmul %div3A_193, %get3A_265, %dot_general3A_266 {dimension_numbers = #tpu.dot_dimension_numbers<[1], [0], [0], [1], [0, 0, 1, 1], [], []>, transpose_lhs_hint = false} : vector<1x128xf32>, vector<128x128xf32>, vector<1x128xf32> -> vector<1x128xf32>
    %mul3A_268 = arith.constant 2.000000e+00 : f32
    %mul3A_269 = vector.broadcast %mul3A_268 : f32 to vector<1x128xf32>
    %mul3A_270 = arith.mulf %mul3A_269, %dot_general3A_267 : vector<1x128xf32>
    %add3A_271 = arith.addf %add3A_262, %mul3A_270 : vector<1x128xf32>
    %broadcast_in_dim3A_272 = arith.constant 0.000000e+00 : f32
    %broadcast_in_dim3A_273 = vector.broadcast %broadcast_in_dim3A_272 : f32 to vector<4x128xf32>
    %concatenate3A_274 = tpu.concatenate %add3A_229, %add3A_240, %add3A_251, %add3A_271, %broadcast_in_dim3A_273 in 0 : vector<1x128xf32>, vector<1x128xf32>, vector<1x128xf32>, vector<1x128xf32>, vector<4x128xf32> -> vector<8x128xf32>
    %swap3A_275 = arith.constant 0 : index
    %swap3A_276 = arith.constant 0 : index
    %swap3A_277 = vector.load %arg17[%swap3A_275, %swap3A_276] : memref<8x128xf32, #tpu.memory_space<vmem>>, vector<8x128xf32>
    tpu.vector_store %arg17[%swap3A_275, %swap3A_276], %concatenate3A_274 {strides = array<i32>} : memref<8x128xf32, #tpu.memory_space<vmem>>, vector<8x128xf32>,
    return
  }
}

module attributes {stable_mosaic.version = 14 : i64} {
  func.func @_fused_body(%arg0: i32, %arg1: memref<51xi32, #tpu.memory_space<smem>>, %arg2: memref<172032x128xf32, #tpu.memory_space<any>>, %arg3: memref<172032x1xi32, #tpu.memory_space<any>>, %arg4: memref<128x16xf32, #tpu.memory_space<vmem>>, %arg5: memref<200x16xf32, #tpu.memory_space<vmem>>, %arg6: memref<8x128x128xf32, #tpu.memory_space<vmem>>, %arg7: memref<8x128xf32, #tpu.memory_space<vmem>>, %arg8: memref<200x128xf32, #tpu.memory_space<vmem>>, %arg9: memref<200x128xf32, #tpu.memory_space<vmem>>, %arg10: memref<512x128xf32, #tpu.memory_space<vmem>>, %arg11: memref<512x1xi32, #tpu.memory_space<vmem>>, %arg12: memref<8x200x128xf32, #tpu.memory_space<vmem>>, %arg13: memref<200x16xf32, #tpu.memory_space<vmem>>, %arg14: memref<!tpu.dma_semaphore, #tpu.memory_space<semaphore_mem>>, %arg15: memref<!tpu.dma_semaphore, #tpu.memory_space<semaphore_mem>>) attributes {dimension_semantics = [#tpu.dimension_semantics<arbitrary>], iteration_bounds = array<i64: 50>, scalar_prefetch = 1 : i64, scratch_operands = 6 : i64, tpu.core_type = #tpu.core_type<tc>, window_params = [{}, {}, {pipeline_mode = #tpu.pipeline_mode<synchronous>, transform_indices = @transform_2, window_bounds = array<i64: 128, 16>}, {transform_indices = @transform_3, window_bounds = array<i64: 200, 16>}, {pipeline_mode = #tpu.pipeline_mode<synchronous>, transform_indices = @transform_4, window_bounds = array<i64: 8, 128, 128>}, {pipeline_mode = #tpu.pipeline_mode<synchronous>, transform_indices = @transform_5, window_bounds = array<i64: 8, 128>}, {transform_indices = @transform_6, window_bounds = array<i64: 200, 128>}, {transform_indices = @transform_7, window_bounds = array<i64: 200, 128>}]} {
    %mul3A = arith.constant 200 : i32
    %mul3A_0 = arith.muli %arg0, %mul3A : i32
    %get3A = arith.index_cast %arg0 : i32 to index
    %get3A_1 = memref.load %arg1[%get3A] : memref<51xi32, #tpu.memory_space<smem>>
    %add3A = arith.constant 1 : i32
    %add3A_2 = arith.addi %arg0, %add3A : i32
    %get3A_3 = arith.index_cast %add3A_2 : i32 to index
    %get3A_4 = memref.load %arg1[%get3A_3] : memref<51xi32, #tpu.memory_space<smem>>
    %jit3A = arith.constant 8 : i32
    %div3A = arith.divsi %get3A_1, %jit3A : i32
    %sign3A = arith.constant 0 : i32
    %sign3A_5 = arith.cmpi sgt, %get3A_1, %sign3A : i32
    %sign3A_6 = arith.extui %sign3A_5 : i1 to i32
    %sign3A_7 = arith.constant 0 : i32
    %sign3A_8 = arith.cmpi slt, %get3A_1, %sign3A_7 : i32
    %sign3A_9 = arith.extui %sign3A_8 : i1 to i32
    %sign3A_10 = arith.subi %sign3A_6, %sign3A_9 : i32
    %sign3A_11 = arith.constant 0 : i32
    %sign3A_12 = arith.cmpi sgt, %jit3A, %sign3A_11 : i32
    %sign3A_13 = arith.extui %sign3A_12 : i1 to i32
    %sign3A_14 = arith.constant 0 : i32
    %sign3A_15 = arith.cmpi slt, %jit3A, %sign3A_14 : i32
    %sign3A_16 = arith.extui %sign3A_15 : i1 to i32
    %sign3A_17 = arith.subi %sign3A_13, %sign3A_16 : i32
    %ne3A = arith.cmpi ne, %sign3A_10, %sign3A_17 : i32
    %rem3A = arith.remsi %get3A_1, %jit3A : i32
    %ne3A_18 = arith.constant 0 : i32
    %ne3A_19 = arith.cmpi ne, %rem3A, %ne3A_18 : i32
    %and3A = arith.andi %ne3A, %ne3A_19 : i1
    %sub3A = arith.constant 1 : i32
    %sub3A_20 = arith.subi %div3A, %sub3A : i32
    %select_n3A = arith.select %and3A, %sub3A_20, %div3A : i32
    %mul3A_21 = arith.constant 8 : i32
    %mul3A_22 = arith.muli %select_n3A, %mul3A_21 : i32
    %sub3A_23 = arith.subi %get3A_4, %mul3A_22 : i32
    %add3A_24 = arith.constant 512 : i32
    %add3A_25 = arith.addi %sub3A_23, %add3A_24 : i32
    %sub3A_26 = arith.constant 1 : i32
    %sub3A_27 = arith.subi %add3A_25, %sub3A_26 : i32
    %jit3A_28 = arith.constant 512 : i32
    %div3A_29 = arith.divsi %sub3A_27, %jit3A_28 : i32
    %sign3A_30 = arith.constant 0 : i32
    %sign3A_31 = arith.cmpi sgt, %sub3A_27, %sign3A_30 : i32
    %sign3A_32 = arith.extui %sign3A_31 : i1 to i32
    %sign3A_33 = arith.constant 0 : i32
    %sign3A_34 = arith.cmpi slt, %sub3A_27, %sign3A_33 : i32
    %sign3A_35 = arith.extui %sign3A_34 : i1 to i32
    %sign3A_36 = arith.subi %sign3A_32, %sign3A_35 : i32
    %sign3A_37 = arith.constant 0 : i32
    %sign3A_38 = arith.cmpi sgt, %jit3A_28, %sign3A_37 : i32
    %sign3A_39 = arith.extui %sign3A_38 : i1 to i32
    %sign3A_40 = arith.constant 0 : i32
    %sign3A_41 = arith.cmpi slt, %jit3A_28, %sign3A_40 : i32
    %sign3A_42 = arith.extui %sign3A_41 : i1 to i32
    %sign3A_43 = arith.subi %sign3A_39, %sign3A_42 : i32
    %ne3A_44 = arith.cmpi ne, %sign3A_36, %sign3A_43 : i32
    %rem3A_45 = arith.remsi %sub3A_27, %jit3A_28 : i32
    %ne3A_46 = arith.constant 0 : i32
    %ne3A_47 = arith.cmpi ne, %rem3A_45, %ne3A_46 : i32
    %and3A_48 = arith.andi %ne3A_44, %ne3A_47 : i1
    %sub3A_49 = arith.constant 1 : i32
    %sub3A_50 = arith.subi %div3A_29, %sub3A_49 : i32
    %select_n3A_51 = arith.select %and3A_48, %sub3A_50, %div3A_29 : i32
    %broadcast_in_dim3A = arith.constant 0.000000e+00 : f32
    %broadcast_in_dim3A_52 = vector.broadcast %broadcast_in_dim3A : f32 to vector<8x200x128xf32>
    %swap3A = arith.constant 0 : index
    %swap3A_53 = arith.constant 0 : index
    %swap3A_54 = arith.constant 0 : index
    %swap3A_55 = vector.load %arg12[%swap3A, %swap3A_53, %swap3A_54] : memref<8x200x128xf32, #tpu.memory_space<vmem>>, vector<8x200x128xf32>
    tpu.vector_store %arg12[%swap3A, %swap3A_53, %swap3A_54], %broadcast_in_dim3A_52 {strides = array<i32>} : memref<8x200x128xf32, #tpu.memory_space<vmem>>, vector<8x200x128xf32>,
    %broadcast_in_dim3A_56 = arith.constant 0.000000e+00 : f32
    %broadcast_in_dim3A_57 = vector.broadcast %broadcast_in_dim3A_56 : f32 to vector<200x16xf32>
    %swap3A_58 = arith.constant 0 : index
    %swap3A_59 = arith.constant 0 : index
    %swap3A_60 = vector.load %arg13[%swap3A_58, %swap3A_59] : memref<200x16xf32, #tpu.memory_space<vmem>>, vector<200x16xf32>
    tpu.vector_store %arg13[%swap3A_58, %swap3A_59], %broadcast_in_dim3A_57 {strides = array<i32>} : memref<200x16xf32, #tpu.memory_space<vmem>>, vector<200x16xf32>,
    %get3A_61 = arith.constant 0 : index
    %get3A_62 = arith.constant 0 : index
    %get3A_63 = vector.load %arg4[%get3A_61, %get3A_62] : memref<128x16xf32, #tpu.memory_space<vmem>>, vector<128x16xf32>
    %get3A_64 = arith.constant 0 : index
    %get3A_65 = arith.constant 0 : index
    %get3A_66 = vector.load %arg5[%get3A_64, %get3A_65] : memref<200x16xf32, #tpu.memory_space<vmem>>, vector<200x16xf32>
    %while3A = arith.constant 0 : i32
    %while3A_67 = arith.constant 0 : i32
    %while3A_68 = arith.subi %select_n3A_51, %while3A : i32
    %while3A_69 = arith.addi %while3A, %while3A_68 : i32
    %while3A_70 = arith.constant 1 : i32
    %while3A_71 = arith.divsi %while3A_68, %while3A_70 : i32
    %while3A_72 = arith.muli %while3A_71, %while3A_70 : i32
    %while3A_73 = arith.addi %while3A, %while3A_72 : i32
    %while3A_74 = arith.constant 1 : i32
    %while3A_75 = scf.for %while3A_273 = %while3A to %while3A_73 step %while3A_74 iter_args(%while3A_274 = %while3A_67) -> (i32)  : i32 {
      %mul3A_275 = arith.constant 512 : i32
      %mul3A_276 = arith.muli %while3A_273, %mul3A_275 : i32
      %add3A_277 = arith.addi %mul3A_22, %mul3A_276 : i32
      %dma_start3A = arith.constant 0 : i32
      %dma_start3A_278 = tpu.memref_slice %arg2[%add3A_277, %dma_start3A] : memref<172032x128xf32, #tpu.memory_space<any>> -> memref<512x128xf32, #tpu.memory_space<any>>
      tpu.enqueue_dma source(%dma_start3A_278 : memref<512x128xf32, #tpu.memory_space<any>>) target(%arg10 : memref<512x128xf32, #tpu.memory_space<vmem>>) target_semaphore(%arg14 : memref<!tpu.dma_semaphore, #tpu.memory_space<semaphore_mem>>)
      %dma_start3A_279 = arith.constant 0 : i32
      %dma_start3A_280 = tpu.memref_slice %arg3[%add3A_277, %dma_start3A_279] : memref<172032x1xi32, #tpu.memory_space<any>> -> memref<512x1xi32, #tpu.memory_space<any>>
      tpu.enqueue_dma source(%dma_start3A_280 : memref<512x1xi32, #tpu.memory_space<any>>) target(%arg11 : memref<512x1xi32, #tpu.memory_space<vmem>>) target_semaphore(%arg15 : memref<!tpu.dma_semaphore, #tpu.memory_space<semaphore_mem>>)
      %dma_wait3A = arith.constant 0 : i32
      %dma_wait3A_281 = tpu.memref_slice %arg2[%add3A_277, %dma_wait3A] : memref<172032x128xf32, #tpu.memory_space<any>> -> memref<512x128xf32, #tpu.memory_space<any>>
      tpu.wait_dma2 semaphore(%arg14 : memref<!tpu.dma_semaphore, #tpu.memory_space<semaphore_mem>>) src(%dma_wait3A_281 : memref<512x128xf32, #tpu.memory_space<any>>) dst(%arg10 : memref<512x128xf32, #tpu.memory_space<vmem>>)
      %dma_wait3A_282 = arith.constant 0 : i32
      %dma_wait3A_283 = tpu.memref_slice %arg3[%add3A_277, %dma_wait3A_282] : memref<172032x1xi32, #tpu.memory_space<any>> -> memref<512x1xi32, #tpu.memory_space<any>>
      tpu.wait_dma2 semaphore(%arg15 : memref<!tpu.dma_semaphore, #tpu.memory_space<semaphore_mem>>) src(%dma_wait3A_283 : memref<512x1xi32, #tpu.memory_space<any>>) dst(%arg11 : memref<512x1xi32, #tpu.memory_space<vmem>>)
      %get3A_284 = arith.constant 0 : index
      %get3A_285 = arith.constant 0 : index
      %get3A_286 = vector.load %arg10[%get3A_284, %get3A_285] : memref<512x128xf32, #tpu.memory_space<vmem>>, vector<512x128xf32>
      %get3A_287 = arith.constant 0 : index
      %get3A_288 = arith.constant 0 : index
      %get3A_289 = vector.load %arg11[%get3A_287, %get3A_288] : memref<512x1xi32, #tpu.memory_space<vmem>>, vector<512x1xi32>
      %iota3A = tpu.iota {dimensions = array<i32: 1>} : vector<512x200xi32>
      %add3A_290 = vector.broadcast %mul3A_0 : i32 to vector<512x200xi32>
      %add3A_291 = arith.addi %add3A_290, %iota3A : vector<512x200xi32>
      %eq3A = vector.broadcast %get3A_289 : vector<512x1xi32> to vector<512x200xi32>
      %eq3A_292 = arith.cmpi eq, %eq3A, %add3A_291 : vector<512x200xi32>
      %convert_element_type3A = arith.extui %eq3A_292 : vector<512x200xi1> to vector<512x200xi32>
      %convert_element_type3A_293 = arith.sitofp %convert_element_type3A : vector<512x200xi32> to vector<512x200xf32>
      %dot_general3A_294 = arith.constant dense<0.000000e+00> : vector<512x16xf32>
      %dot_general3A_295 = tpu.matmul %get3A_286, %get3A_63, %dot_general3A_294 {dimension_numbers = #tpu.dot_dimension_numbers<[1], [0], [0], [1], [0, 0, 1, 1], [], []>, transpose_lhs_hint = false} : vector<512x128xf32>, vector<128x16xf32>, vector<512x16xf32> -> vector<512x16xf32>
      %dot_general3A_296 = arith.constant dense<0.000000e+00> : vector<512x16xf32>
      %dot_general3A_297 = tpu.matmul %convert_element_type3A_293, %get3A_66, %dot_general3A_296 {dimension_numbers = #tpu.dot_dimension_numbers<[1], [0], [0], [1], [0, 0, 1, 1], [], []>, transpose_lhs_hint = false} : vector<512x200xf32>, vector<200x16xf32>, vector<512x16xf32> -> vector<512x16xf32>
      %add3A_298 = arith.addf %dot_general3A_295, %dot_general3A_297 : vector<512x16xf32>
      %ge3A = arith.constant 0.000000e+00 : f32
      %ge3A_299 = vector.broadcast %ge3A : f32 to vector<512x16xf32>
      %ge3A_300 = arith.cmpf oge, %add3A_298, %ge3A_299 : vector<512x16xf32>
      %mul3A_301 = arith.constant 2.000000e-01 : f32
      %mul3A_302 = vector.broadcast %mul3A_301 : f32 to vector<512x16xf32>
      %mul3A_303 = arith.mulf %mul3A_302, %add3A_298 : vector<512x16xf32>
      %select_n3A_304 = arith.select %ge3A_300, %add3A_298, %mul3A_303 : vector<512x16xi1>, vector<512x16xf32>
      %exp3A = math.exp %select_n3A_304 : vector<512x16xf32>
      %get3A_305 = arith.constant 0 : index
      %get3A_306 = arith.constant 0 : index
      %get3A_307 = vector.load %arg13[%get3A_305, %get3A_306] : memref<200x16xf32, #tpu.memory_space<vmem>>, vector<200x16xf32>
      %dot_general3A_308 = arith.constant dense<0.000000e+00> : vector<200x16xf32>
      %dot_general3A_309 = tpu.matmul %convert_element_type3A_293, %exp3A, %dot_general3A_308 {dimension_numbers = #tpu.dot_dimension_numbers<[0], [0], [1], [1], [0, 1, 1, 1], [], []>, transpose_lhs_hint = false} : vector<512x200xf32>, vector<512x16xf32>, vector<200x16xf32> -> vector<200x16xf32>
      %add3A_310 = arith.addf %get3A_307, %dot_general3A_309 : vector<200x16xf32>
      %swap3A_311 = arith.constant 0 : index
      %swap3A_312 = arith.constant 0 : index
      %swap3A_313 = vector.load %arg13[%swap3A_311, %swap3A_312] : memref<200x16xf32, #tpu.memory_space<vmem>>, vector<200x16xf32>
      tpu.vector_store %arg13[%swap3A_311, %swap3A_312], %add3A_310 {strides = array<i32>} : memref<200x16xf32, #tpu.memory_space<vmem>>, vector<200x16xf32>,
      %slice3A_314 = vector.extract_strided_slice %exp3A {offsets = [0, 0], sizes = [512, 1], strides = [1, 1]} : vector<512x16xf32> to vector<512x1xf32>
      %mul3A_315 = vector.broadcast %slice3A_314 : vector<512x1xf32> to vector<512x200xf32>
      %mul3A_316 = arith.mulf %convert_element_type3A_293, %mul3A_315 : vector<512x200xf32>
      %get3A_317 = arith.constant 0 : index
      %get3A_318 = arith.constant 0 : index
      %get3A_319 = arith.constant 0 : index
      %get3A_320 = vector.load %arg12[%get3A_317, %get3A_318, %get3A_319] : memref<8x200x128xf32, #tpu.memory_space<vmem>>, vector<1x200x128xf32>
      %get3A_321 = vector.shape_cast %get3A_320 : vector<1x200x128xf32> to vector<200x128xf32>
      %dot_general3A_322 = arith.constant dense<0.000000e+00> : vector<200x128xf32>
      %dot_general3A_323 = tpu.matmul %mul3A_316, %get3A_286, %dot_general3A_322 {dimension_numbers = #tpu.dot_dimension_numbers<[0], [0], [1], [1], [0, 1, 1, 1], [], []>, transpose_lhs_hint = false} : vector<512x200xf32>, vector<512x128xf32>, vector<200x128xf32> -> vector<200x128xf32>
      %add3A_324 = arith.addf %get3A_321, %dot_general3A_323 : vector<200x128xf32>
      %swap3A_325 = arith.constant 0 : index
      %swap3A_326 = arith.constant 0 : index
      %swap3A_327 = arith.constant 0 : index
      %swap3A_328 = vector.load %arg12[%swap3A_325, %swap3A_326, %swap3A_327] : memref<8x200x128xf32, #tpu.memory_space<vmem>>, vector<1x200x128xf32>
      %swap3A_329 = vector.shape_cast %swap3A_328 : vector<1x200x128xf32> to vector<200x128xf32>
      %swap3A_330 = vector.shape_cast %add3A_324 : vector<200x128xf32> to vector<1x200x128xf32>
      tpu.vector_store %arg12[%swap3A_325, %swap3A_326, %swap3A_327], %swap3A_330 {strides = array<i32>} : memref<8x200x128xf32, #tpu.memory_space<vmem>>, vector<1x200x128xf32>,
      %slice3A_331 = vector.extract_strided_slice %exp3A {offsets = [0, 1], sizes = [512, 1], strides = [1, 1]} : vector<512x16xf32> to vector<512x1xf32>
      %mul3A_332 = vector.broadcast %slice3A_331 : vector<512x1xf32> to vector<512x200xf32>
      %mul3A_333 = arith.mulf %convert_element_type3A_293, %mul3A_332 : vector<512x200xf32>
      %get3A_334 = arith.constant 1 : index
      %get3A_335 = arith.constant 0 : index
      %get3A_336 = arith.constant 0 : index
      %get3A_337 = vector.load %arg12[%get3A_334, %get3A_335, %get3A_336] : memref<8x200x128xf32, #tpu.memory_space<vmem>>, vector<1x200x128xf32>
      %get3A_338 = vector.shape_cast %get3A_337 : vector<1x200x128xf32> to vector<200x128xf32>
      %dot_general3A_339 = arith.constant dense<0.000000e+00> : vector<200x128xf32>
      %dot_general3A_340 = tpu.matmul %mul3A_333, %get3A_286, %dot_general3A_339 {dimension_numbers = #tpu.dot_dimension_numbers<[0], [0], [1], [1], [0, 1, 1, 1], [], []>, transpose_lhs_hint = false} : vector<512x200xf32>, vector<512x128xf32>, vector<200x128xf32> -> vector<200x128xf32>
      %add3A_341 = arith.addf %get3A_338, %dot_general3A_340 : vector<200x128xf32>
      %swap3A_342 = arith.constant 1 : index
      %swap3A_343 = arith.constant 0 : index
      %swap3A_344 = arith.constant 0 : index
      %swap3A_345 = vector.load %arg12[%swap3A_342, %swap3A_343, %swap3A_344] : memref<8x200x128xf32, #tpu.memory_space<vmem>>, vector<1x200x128xf32>
      %swap3A_346 = vector.shape_cast %swap3A_345 : vector<1x200x128xf32> to vector<200x128xf32>
      %swap3A_347 = vector.shape_cast %add3A_341 : vector<200x128xf32> to vector<1x200x128xf32>
      tpu.vector_store %arg12[%swap3A_342, %swap3A_343, %swap3A_344], %swap3A_347 {strides = array<i32>} : memref<8x200x128xf32, #tpu.memory_space<vmem>>, vector<1x200x128xf32>,
      %slice3A_348 = vector.extract_strided_slice %exp3A {offsets = [0, 2], sizes = [512, 1], strides = [1, 1]} : vector<512x16xf32> to vector<512x1xf32>
      %mul3A_349 = vector.broadcast %slice3A_348 : vector<512x1xf32> to vector<512x200xf32>
      %mul3A_350 = arith.mulf %convert_element_type3A_293, %mul3A_349 : vector<512x200xf32>
      %get3A_351 = arith.constant 2 : index
      %get3A_352 = arith.constant 0 : index
      %get3A_353 = arith.constant 0 : index
      %get3A_354 = vector.load %arg12[%get3A_351, %get3A_352, %get3A_353] : memref<8x200x128xf32, #tpu.memory_space<vmem>>, vector<1x200x128xf32>
      %get3A_355 = vector.shape_cast %get3A_354 : vector<1x200x128xf32> to vector<200x128xf32>
      %dot_general3A_356 = arith.constant dense<0.000000e+00> : vector<200x128xf32>
      %dot_general3A_357 = tpu.matmul %mul3A_350, %get3A_286, %dot_general3A_356 {dimension_numbers = #tpu.dot_dimension_numbers<[0], [0], [1], [1], [0, 1, 1, 1], [], []>, transpose_lhs_hint = false} : vector<512x200xf32>, vector<512x128xf32>, vector<200x128xf32> -> vector<200x128xf32>
      %add3A_358 = arith.addf %get3A_355, %dot_general3A_357 : vector<200x128xf32>
      %swap3A_359 = arith.constant 2 : index
      %swap3A_360 = arith.constant 0 : index
      %swap3A_361 = arith.constant 0 : index
      %swap3A_362 = vector.load %arg12[%swap3A_359, %swap3A_360, %swap3A_361] : memref<8x200x128xf32, #tpu.memory_space<vmem>>, vector<1x200x128xf32>
      %swap3A_363 = vector.shape_cast %swap3A_362 : vector<1x200x128xf32> to vector<200x128xf32>
      %swap3A_364 = vector.shape_cast %add3A_358 : vector<200x128xf32> to vector<1x200x128xf32>
      tpu.vector_store %arg12[%swap3A_359, %swap3A_360, %swap3A_361], %swap3A_364 {strides = array<i32>} : memref<8x200x128xf32, #tpu.memory_space<vmem>>, vector<1x200x128xf32>,
      %slice3A_365 = vector.extract_strided_slice %exp3A {offsets = [0, 3], sizes = [512, 1], strides = [1, 1]} : vector<512x16xf32> to vector<512x1xf32>
      %mul3A_366 = vector.broadcast %slice3A_365 : vector<512x1xf32> to vector<512x200xf32>
      %mul3A_367 = arith.mulf %convert_element_type3A_293, %mul3A_366 : vector<512x200xf32>
      %get3A_368 = arith.constant 3 : index
      %get3A_369 = arith.constant 0 : index
      %get3A_370 = arith.constant 0 : index
      %get3A_371 = vector.load %arg12[%get3A_368, %get3A_369, %get3A_370] : memref<8x200x128xf32, #tpu.memory_space<vmem>>, vector<1x200x128xf32>
      %get3A_372 = vector.shape_cast %get3A_371 : vector<1x200x128xf32> to vector<200x128xf32>
      %dot_general3A_373 = arith.constant dense<0.000000e+00> : vector<200x128xf32>
      %dot_general3A_374 = tpu.matmul %mul3A_367, %get3A_286, %dot_general3A_373 {dimension_numbers = #tpu.dot_dimension_numbers<[0], [0], [1], [1], [0, 1, 1, 1], [], []>, transpose_lhs_hint = false} : vector<512x200xf32>, vector<512x128xf32>, vector<200x128xf32> -> vector<200x128xf32>
      %add3A_375 = arith.addf %get3A_372, %dot_general3A_374 : vector<200x128xf32>
      %swap3A_376 = arith.constant 3 : index
      %swap3A_377 = arith.constant 0 : index
      %swap3A_378 = arith.constant 0 : index
      %swap3A_379 = vector.load %arg12[%swap3A_376, %swap3A_377, %swap3A_378] : memref<8x200x128xf32, #tpu.memory_space<vmem>>, vector<1x200x128xf32>
      %swap3A_380 = vector.shape_cast %swap3A_379 : vector<1x200x128xf32> to vector<200x128xf32>
      %swap3A_381 = vector.shape_cast %add3A_375 : vector<200x128xf32> to vector<1x200x128xf32>
      tpu.vector_store %arg12[%swap3A_376, %swap3A_377, %swap3A_378], %swap3A_381 {strides = array<i32>} : memref<8x200x128xf32, #tpu.memory_space<vmem>>, vector<1x200x128xf32>,
      %slice3A_382 = vector.extract_strided_slice %exp3A {offsets = [0, 4], sizes = [512, 1], strides = [1, 1]} : vector<512x16xf32> to vector<512x1xf32>
      %mul3A_383 = vector.broadcast %slice3A_382 : vector<512x1xf32> to vector<512x200xf32>
      %mul3A_384 = arith.mulf %convert_element_type3A_293, %mul3A_383 : vector<512x200xf32>
      %get3A_385 = arith.constant 4 : index
      %get3A_386 = arith.constant 0 : index
      %get3A_387 = arith.constant 0 : index
      %get3A_388 = vector.load %arg12[%get3A_385, %get3A_386, %get3A_387] : memref<8x200x128xf32, #tpu.memory_space<vmem>>, vector<1x200x128xf32>
      %get3A_389 = vector.shape_cast %get3A_388 : vector<1x200x128xf32> to vector<200x128xf32>
      %dot_general3A_390 = arith.constant dense<0.000000e+00> : vector<200x128xf32>
      %dot_general3A_391 = tpu.matmul %mul3A_384, %get3A_286, %dot_general3A_390 {dimension_numbers = #tpu.dot_dimension_numbers<[0], [0], [1], [1], [0, 1, 1, 1], [], []>, transpose_lhs_hint = false} : vector<512x200xf32>, vector<512x128xf32>, vector<200x128xf32> -> vector<200x128xf32>
      %add3A_392 = arith.addf %get3A_389, %dot_general3A_391 : vector<200x128xf32>
      %swap3A_393 = arith.constant 4 : index
      %swap3A_394 = arith.constant 0 : index
      %swap3A_395 = arith.constant 0 : index
      %swap3A_396 = vector.load %arg12[%swap3A_393, %swap3A_394, %swap3A_395] : memref<8x200x128xf32, #tpu.memory_space<vmem>>, vector<1x200x128xf32>
      %swap3A_397 = vector.shape_cast %swap3A_396 : vector<1x200x128xf32> to vector<200x128xf32>
      %swap3A_398 = vector.shape_cast %add3A_392 : vector<200x128xf32> to vector<1x200x128xf32>
      tpu.vector_store %arg12[%swap3A_393, %swap3A_394, %swap3A_395], %swap3A_398 {strides = array<i32>} : memref<8x200x128xf32, #tpu.memory_space<vmem>>, vector<1x200x128xf32>,
      %slice3A_399 = vector.extract_strided_slice %exp3A {offsets = [0, 5], sizes = [512, 1], strides = [1, 1]} : vector<512x16xf32> to vector<512x1xf32>
      %mul3A_400 = vector.broadcast %slice3A_399 : vector<512x1xf32> to vector<512x200xf32>
      %mul3A_401 = arith.mulf %convert_element_type3A_293, %mul3A_400 : vector<512x200xf32>
      %get3A_402 = arith.constant 5 : index
      %get3A_403 = arith.constant 0 : index
      %get3A_404 = arith.constant 0 : index
      %get3A_405 = vector.load %arg12[%get3A_402, %get3A_403, %get3A_404] : memref<8x200x128xf32, #tpu.memory_space<vmem>>, vector<1x200x128xf32>
      %get3A_406 = vector.shape_cast %get3A_405 : vector<1x200x128xf32> to vector<200x128xf32>
      %dot_general3A_407 = arith.constant dense<0.000000e+00> : vector<200x128xf32>
      %dot_general3A_408 = tpu.matmul %mul3A_401, %get3A_286, %dot_general3A_407 {dimension_numbers = #tpu.dot_dimension_numbers<[0], [0], [1], [1], [0, 1, 1, 1], [], []>, transpose_lhs_hint = false} : vector<512x200xf32>, vector<512x128xf32>, vector<200x128xf32> -> vector<200x128xf32>
      %add3A_409 = arith.addf %get3A_406, %dot_general3A_408 : vector<200x128xf32>
      %swap3A_410 = arith.constant 5 : index
      %swap3A_411 = arith.constant 0 : index
      %swap3A_412 = arith.constant 0 : index
      %swap3A_413 = vector.load %arg12[%swap3A_410, %swap3A_411, %swap3A_412] : memref<8x200x128xf32, #tpu.memory_space<vmem>>, vector<1x200x128xf32>
      %swap3A_414 = vector.shape_cast %swap3A_413 : vector<1x200x128xf32> to vector<200x128xf32>
      %swap3A_415 = vector.shape_cast %add3A_409 : vector<200x128xf32> to vector<1x200x128xf32>
      tpu.vector_store %arg12[%swap3A_410, %swap3A_411, %swap3A_412], %swap3A_415 {strides = array<i32>} : memref<8x200x128xf32, #tpu.memory_space<vmem>>, vector<1x200x128xf32>,
      %slice3A_416 = vector.extract_strided_slice %exp3A {offsets = [0, 6], sizes = [512, 1], strides = [1, 1]} : vector<512x16xf32> to vector<512x1xf32>
      %mul3A_417 = vector.broadcast %slice3A_416 : vector<512x1xf32> to vector<512x200xf32>
      %mul3A_418 = arith.mulf %convert_element_type3A_293, %mul3A_417 : vector<512x200xf32>
      %get3A_419 = arith.constant 6 : index
      %get3A_420 = arith.constant 0 : index
      %get3A_421 = arith.constant 0 : index
      %get3A_422 = vector.load %arg12[%get3A_419, %get3A_420, %get3A_421] : memref<8x200x128xf32, #tpu.memory_space<vmem>>, vector<1x200x128xf32>
      %get3A_423 = vector.shape_cast %get3A_422 : vector<1x200x128xf32> to vector<200x128xf32>
      %dot_general3A_424 = arith.constant dense<0.000000e+00> : vector<200x128xf32>
      %dot_general3A_425 = tpu.matmul %mul3A_418, %get3A_286, %dot_general3A_424 {dimension_numbers = #tpu.dot_dimension_numbers<[0], [0], [1], [1], [0, 1, 1, 1], [], []>, transpose_lhs_hint = false} : vector<512x200xf32>, vector<512x128xf32>, vector<200x128xf32> -> vector<200x128xf32>
      %add3A_426 = arith.addf %get3A_423, %dot_general3A_425 : vector<200x128xf32>
      %swap3A_427 = arith.constant 6 : index
      %swap3A_428 = arith.constant 0 : index
      %swap3A_429 = arith.constant 0 : index
      %swap3A_430 = vector.load %arg12[%swap3A_427, %swap3A_428, %swap3A_429] : memref<8x200x128xf32, #tpu.memory_space<vmem>>, vector<1x200x128xf32>
      %swap3A_431 = vector.shape_cast %swap3A_430 : vector<1x200x128xf32> to vector<200x128xf32>
      %swap3A_432 = vector.shape_cast %add3A_426 : vector<200x128xf32> to vector<1x200x128xf32>
      tpu.vector_store %arg12[%swap3A_427, %swap3A_428, %swap3A_429], %swap3A_432 {strides = array<i32>} : memref<8x200x128xf32, #tpu.memory_space<vmem>>, vector<1x200x128xf32>,
      %slice3A_433 = vector.extract_strided_slice %exp3A {offsets = [0, 7], sizes = [512, 1], strides = [1, 1]} : vector<512x16xf32> to vector<512x1xf32>
      %mul3A_434 = vector.broadcast %slice3A_433 : vector<512x1xf32> to vector<512x200xf32>
      %mul3A_435 = arith.mulf %convert_element_type3A_293, %mul3A_434 : vector<512x200xf32>
      %get3A_436 = arith.constant 7 : index
      %get3A_437 = arith.constant 0 : index
      %get3A_438 = arith.constant 0 : index
      %get3A_439 = vector.load %arg12[%get3A_436, %get3A_437, %get3A_438] : memref<8x200x128xf32, #tpu.memory_space<vmem>>, vector<1x200x128xf32>
      %get3A_440 = vector.shape_cast %get3A_439 : vector<1x200x128xf32> to vector<200x128xf32>
      %dot_general3A_441 = arith.constant dense<0.000000e+00> : vector<200x128xf32>
      %dot_general3A_442 = tpu.matmul %mul3A_435, %get3A_286, %dot_general3A_441 {dimension_numbers = #tpu.dot_dimension_numbers<[0], [0], [1], [1], [0, 1, 1, 1], [], []>, transpose_lhs_hint = false} : vector<512x200xf32>, vector<512x128xf32>, vector<200x128xf32> -> vector<200x128xf32>
      %add3A_443 = arith.addf %get3A_440, %dot_general3A_442 : vector<200x128xf32>
      %swap3A_444 = arith.constant 7 : index
      %swap3A_445 = arith.constant 0 : index
      %swap3A_446 = arith.constant 0 : index
      %swap3A_447 = vector.load %arg12[%swap3A_444, %swap3A_445, %swap3A_446] : memref<8x200x128xf32, #tpu.memory_space<vmem>>, vector<1x200x128xf32>
      %swap3A_448 = vector.shape_cast %swap3A_447 : vector<1x200x128xf32> to vector<200x128xf32>
      %swap3A_449 = vector.shape_cast %add3A_443 : vector<200x128xf32> to vector<1x200x128xf32>
      tpu.vector_store %arg12[%swap3A_444, %swap3A_445, %swap3A_446], %swap3A_449 {strides = array<i32>} : memref<8x200x128xf32, #tpu.memory_space<vmem>>, vector<1x200x128xf32>,
      %while3A_450 = arith.constant 0 : i32
      scf.yield %while3A_450 : i32
    }
    %while3A_76 = arith.constant 1 : i32
    %while3A_77 = scf.for %while3A_273 = %while3A_73 to %while3A_69 step %while3A_76 iter_args(%while3A_274 = %while3A_75) -> (i32)  : i32 {
      %mul3A_275 = arith.constant 512 : i32
      %mul3A_276 = arith.muli %while3A_273, %mul3A_275 : i32
      %add3A_277 = arith.addi %mul3A_22, %mul3A_276 : i32
      %dma_start3A = arith.constant 0 : i32
      %dma_start3A_278 = tpu.memref_slice %arg2[%add3A_277, %dma_start3A] : memref<172032x128xf32, #tpu.memory_space<any>> -> memref<512x128xf32, #tpu.memory_space<any>>
      tpu.enqueue_dma source(%dma_start3A_278 : memref<512x128xf32, #tpu.memory_space<any>>) target(%arg10 : memref<512x128xf32, #tpu.memory_space<vmem>>) target_semaphore(%arg14 : memref<!tpu.dma_semaphore, #tpu.memory_space<semaphore_mem>>)
      %dma_start3A_279 = arith.constant 0 : i32
      %dma_start3A_280 = tpu.memref_slice %arg3[%add3A_277, %dma_start3A_279] : memref<172032x1xi32, #tpu.memory_space<any>> -> memref<512x1xi32, #tpu.memory_space<any>>
      tpu.enqueue_dma source(%dma_start3A_280 : memref<512x1xi32, #tpu.memory_space<any>>) target(%arg11 : memref<512x1xi32, #tpu.memory_space<vmem>>) target_semaphore(%arg15 : memref<!tpu.dma_semaphore, #tpu.memory_space<semaphore_mem>>)
      %dma_wait3A = arith.constant 0 : i32
      %dma_wait3A_281 = tpu.memref_slice %arg2[%add3A_277, %dma_wait3A] : memref<172032x128xf32, #tpu.memory_space<any>> -> memref<512x128xf32, #tpu.memory_space<any>>
      tpu.wait_dma2 semaphore(%arg14 : memref<!tpu.dma_semaphore, #tpu.memory_space<semaphore_mem>>) src(%dma_wait3A_281 : memref<512x128xf32, #tpu.memory_space<any>>) dst(%arg10 : memref<512x128xf32, #tpu.memory_space<vmem>>)
      %dma_wait3A_282 = arith.constant 0 : i32
      %dma_wait3A_283 = tpu.memref_slice %arg3[%add3A_277, %dma_wait3A_282] : memref<172032x1xi32, #tpu.memory_space<any>> -> memref<512x1xi32, #tpu.memory_space<any>>
      tpu.wait_dma2 semaphore(%arg15 : memref<!tpu.dma_semaphore, #tpu.memory_space<semaphore_mem>>) src(%dma_wait3A_283 : memref<512x1xi32, #tpu.memory_space<any>>) dst(%arg11 : memref<512x1xi32, #tpu.memory_space<vmem>>)
      %get3A_284 = arith.constant 0 : index
      %get3A_285 = arith.constant 0 : index
      %get3A_286 = vector.load %arg10[%get3A_284, %get3A_285] : memref<512x128xf32, #tpu.memory_space<vmem>>, vector<512x128xf32>
      %get3A_287 = arith.constant 0 : index
      %get3A_288 = arith.constant 0 : index
      %get3A_289 = vector.load %arg11[%get3A_287, %get3A_288] : memref<512x1xi32, #tpu.memory_space<vmem>>, vector<512x1xi32>
      %iota3A = tpu.iota {dimensions = array<i32: 1>} : vector<512x200xi32>
      %add3A_290 = vector.broadcast %mul3A_0 : i32 to vector<512x200xi32>
      %add3A_291 = arith.addi %add3A_290, %iota3A : vector<512x200xi32>
      %eq3A = vector.broadcast %get3A_289 : vector<512x1xi32> to vector<512x200xi32>
      %eq3A_292 = arith.cmpi eq, %eq3A, %add3A_291 : vector<512x200xi32>
      %convert_element_type3A = arith.extui %eq3A_292 : vector<512x200xi1> to vector<512x200xi32>
      %convert_element_type3A_293 = arith.sitofp %convert_element_type3A : vector<512x200xi32> to vector<512x200xf32>
      %dot_general3A_294 = arith.constant dense<0.000000e+00> : vector<512x16xf32>
      %dot_general3A_295 = tpu.matmul %get3A_286, %get3A_63, %dot_general3A_294 {dimension_numbers = #tpu.dot_dimension_numbers<[1], [0], [0], [1], [0, 0, 1, 1], [], []>, transpose_lhs_hint = false} : vector<512x128xf32>, vector<128x16xf32>, vector<512x16xf32> -> vector<512x16xf32>
      %dot_general3A_296 = arith.constant dense<0.000000e+00> : vector<512x16xf32>
      %dot_general3A_297 = tpu.matmul %convert_element_type3A_293, %get3A_66, %dot_general3A_296 {dimension_numbers = #tpu.dot_dimension_numbers<[1], [0], [0], [1], [0, 0, 1, 1], [], []>, transpose_lhs_hint = false} : vector<512x200xf32>, vector<200x16xf32>, vector<512x16xf32> -> vector<512x16xf32>
      %add3A_298 = arith.addf %dot_general3A_295, %dot_general3A_297 : vector<512x16xf32>
      %ge3A = arith.constant 0.000000e+00 : f32
      %ge3A_299 = vector.broadcast %ge3A : f32 to vector<512x16xf32>
      %ge3A_300 = arith.cmpf oge, %add3A_298, %ge3A_299 : vector<512x16xf32>
      %mul3A_301 = arith.constant 2.000000e-01 : f32
      %mul3A_302 = vector.broadcast %mul3A_301 : f32 to vector<512x16xf32>
      %mul3A_303 = arith.mulf %mul3A_302, %add3A_298 : vector<512x16xf32>
      %select_n3A_304 = arith.select %ge3A_300, %add3A_298, %mul3A_303 : vector<512x16xi1>, vector<512x16xf32>
      %exp3A = math.exp %select_n3A_304 : vector<512x16xf32>
      %get3A_305 = arith.constant 0 : index
      %get3A_306 = arith.constant 0 : index
      %get3A_307 = vector.load %arg13[%get3A_305, %get3A_306] : memref<200x16xf32, #tpu.memory_space<vmem>>, vector<200x16xf32>
      %dot_general3A_308 = arith.constant dense<0.000000e+00> : vector<200x16xf32>
      %dot_general3A_309 = tpu.matmul %convert_element_type3A_293, %exp3A, %dot_general3A_308 {dimension_numbers = #tpu.dot_dimension_numbers<[0], [0], [1], [1], [0, 1, 1, 1], [], []>, transpose_lhs_hint = false} : vector<512x200xf32>, vector<512x16xf32>, vector<200x16xf32> -> vector<200x16xf32>
      %add3A_310 = arith.addf %get3A_307, %dot_general3A_309 : vector<200x16xf32>
      %swap3A_311 = arith.constant 0 : index
      %swap3A_312 = arith.constant 0 : index
      %swap3A_313 = vector.load %arg13[%swap3A_311, %swap3A_312] : memref<200x16xf32, #tpu.memory_space<vmem>>, vector<200x16xf32>
      tpu.vector_store %arg13[%swap3A_311, %swap3A_312], %add3A_310 {strides = array<i32>} : memref<200x16xf32, #tpu.memory_space<vmem>>, vector<200x16xf32>,
      %slice3A_314 = vector.extract_strided_slice %exp3A {offsets = [0, 0], sizes = [512, 1], strides = [1, 1]} : vector<512x16xf32> to vector<512x1xf32>
      %mul3A_315 = vector.broadcast %slice3A_314 : vector<512x1xf32> to vector<512x200xf32>
      %mul3A_316 = arith.mulf %convert_element_type3A_293, %mul3A_315 : vector<512x200xf32>
      %get3A_317 = arith.constant 0 : index
      %get3A_318 = arith.constant 0 : index
      %get3A_319 = arith.constant 0 : index
      %get3A_320 = vector.load %arg12[%get3A_317, %get3A_318, %get3A_319] : memref<8x200x128xf32, #tpu.memory_space<vmem>>, vector<1x200x128xf32>
      %get3A_321 = vector.shape_cast %get3A_320 : vector<1x200x128xf32> to vector<200x128xf32>
      %dot_general3A_322 = arith.constant dense<0.000000e+00> : vector<200x128xf32>
      %dot_general3A_323 = tpu.matmul %mul3A_316, %get3A_286, %dot_general3A_322 {dimension_numbers = #tpu.dot_dimension_numbers<[0], [0], [1], [1], [0, 1, 1, 1], [], []>, transpose_lhs_hint = false} : vector<512x200xf32>, vector<512x128xf32>, vector<200x128xf32> -> vector<200x128xf32>
      %add3A_324 = arith.addf %get3A_321, %dot_general3A_323 : vector<200x128xf32>
      %swap3A_325 = arith.constant 0 : index
      %swap3A_326 = arith.constant 0 : index
      %swap3A_327 = arith.constant 0 : index
      %swap3A_328 = vector.load %arg12[%swap3A_325, %swap3A_326, %swap3A_327] : memref<8x200x128xf32, #tpu.memory_space<vmem>>, vector<1x200x128xf32>
      %swap3A_329 = vector.shape_cast %swap3A_328 : vector<1x200x128xf32> to vector<200x128xf32>
      %swap3A_330 = vector.shape_cast %add3A_324 : vector<200x128xf32> to vector<1x200x128xf32>
      tpu.vector_store %arg12[%swap3A_325, %swap3A_326, %swap3A_327], %swap3A_330 {strides = array<i32>} : memref<8x200x128xf32, #tpu.memory_space<vmem>>, vector<1x200x128xf32>,
      %slice3A_331 = vector.extract_strided_slice %exp3A {offsets = [0, 1], sizes = [512, 1], strides = [1, 1]} : vector<512x16xf32> to vector<512x1xf32>
      %mul3A_332 = vector.broadcast %slice3A_331 : vector<512x1xf32> to vector<512x200xf32>
      %mul3A_333 = arith.mulf %convert_element_type3A_293, %mul3A_332 : vector<512x200xf32>
      %get3A_334 = arith.constant 1 : index
      %get3A_335 = arith.constant 0 : index
      %get3A_336 = arith.constant 0 : index
      %get3A_337 = vector.load %arg12[%get3A_334, %get3A_335, %get3A_336] : memref<8x200x128xf32, #tpu.memory_space<vmem>>, vector<1x200x128xf32>
      %get3A_338 = vector.shape_cast %get3A_337 : vector<1x200x128xf32> to vector<200x128xf32>
      %dot_general3A_339 = arith.constant dense<0.000000e+00> : vector<200x128xf32>
      %dot_general3A_340 = tpu.matmul %mul3A_333, %get3A_286, %dot_general3A_339 {dimension_numbers = #tpu.dot_dimension_numbers<[0], [0], [1], [1], [0, 1, 1, 1], [], []>, transpose_lhs_hint = false} : vector<512x200xf32>, vector<512x128xf32>, vector<200x128xf32> -> vector<200x128xf32>
      %add3A_341 = arith.addf %get3A_338, %dot_general3A_340 : vector<200x128xf32>
      %swap3A_342 = arith.constant 1 : index
      %swap3A_343 = arith.constant 0 : index
      %swap3A_344 = arith.constant 0 : index
      %swap3A_345 = vector.load %arg12[%swap3A_342, %swap3A_343, %swap3A_344] : memref<8x200x128xf32, #tpu.memory_space<vmem>>, vector<1x200x128xf32>
      %swap3A_346 = vector.shape_cast %swap3A_345 : vector<1x200x128xf32> to vector<200x128xf32>
      %swap3A_347 = vector.shape_cast %add3A_341 : vector<200x128xf32> to vector<1x200x128xf32>
      tpu.vector_store %arg12[%swap3A_342, %swap3A_343, %swap3A_344], %swap3A_347 {strides = array<i32>} : memref<8x200x128xf32, #tpu.memory_space<vmem>>, vector<1x200x128xf32>,
      %slice3A_348 = vector.extract_strided_slice %exp3A {offsets = [0, 2], sizes = [512, 1], strides = [1, 1]} : vector<512x16xf32> to vector<512x1xf32>
      %mul3A_349 = vector.broadcast %slice3A_348 : vector<512x1xf32> to vector<512x200xf32>
      %mul3A_350 = arith.mulf %convert_element_type3A_293, %mul3A_349 : vector<512x200xf32>
      %get3A_351 = arith.constant 2 : index
      %get3A_352 = arith.constant 0 : index
      %get3A_353 = arith.constant 0 : index
      %get3A_354 = vector.load %arg12[%get3A_351, %get3A_352, %get3A_353] : memref<8x200x128xf32, #tpu.memory_space<vmem>>, vector<1x200x128xf32>
      %get3A_355 = vector.shape_cast %get3A_354 : vector<1x200x128xf32> to vector<200x128xf32>
      %dot_general3A_356 = arith.constant dense<0.000000e+00> : vector<200x128xf32>
      %dot_general3A_357 = tpu.matmul %mul3A_350, %get3A_286, %dot_general3A_356 {dimension_numbers = #tpu.dot_dimension_numbers<[0], [0], [1], [1], [0, 1, 1, 1], [], []>, transpose_lhs_hint = false} : vector<512x200xf32>, vector<512x128xf32>, vector<200x128xf32> -> vector<200x128xf32>
      %add3A_358 = arith.addf %get3A_355, %dot_general3A_357 : vector<200x128xf32>
      %swap3A_359 = arith.constant 2 : index
      %swap3A_360 = arith.constant 0 : index
      %swap3A_361 = arith.constant 0 : index
      %swap3A_362 = vector.load %arg12[%swap3A_359, %swap3A_360, %swap3A_361] : memref<8x200x128xf32, #tpu.memory_space<vmem>>, vector<1x200x128xf32>
      %swap3A_363 = vector.shape_cast %swap3A_362 : vector<1x200x128xf32> to vector<200x128xf32>
      %swap3A_364 = vector.shape_cast %add3A_358 : vector<200x128xf32> to vector<1x200x128xf32>
      tpu.vector_store %arg12[%swap3A_359, %swap3A_360, %swap3A_361], %swap3A_364 {strides = array<i32>} : memref<8x200x128xf32, #tpu.memory_space<vmem>>, vector<1x200x128xf32>,
      %slice3A_365 = vector.extract_strided_slice %exp3A {offsets = [0, 3], sizes = [512, 1], strides = [1, 1]} : vector<512x16xf32> to vector<512x1xf32>
      %mul3A_366 = vector.broadcast %slice3A_365 : vector<512x1xf32> to vector<512x200xf32>
      %mul3A_367 = arith.mulf %convert_element_type3A_293, %mul3A_366 : vector<512x200xf32>
      %get3A_368 = arith.constant 3 : index
      %get3A_369 = arith.constant 0 : index
      %get3A_370 = arith.constant 0 : index
      %get3A_371 = vector.load %arg12[%get3A_368, %get3A_369, %get3A_370] : memref<8x200x128xf32, #tpu.memory_space<vmem>>, vector<1x200x128xf32>
      %get3A_372 = vector.shape_cast %get3A_371 : vector<1x200x128xf32> to vector<200x128xf32>
      %dot_general3A_373 = arith.constant dense<0.000000e+00> : vector<200x128xf32>
      %dot_general3A_374 = tpu.matmul %mul3A_367, %get3A_286, %dot_general3A_373 {dimension_numbers = #tpu.dot_dimension_numbers<[0], [0], [1], [1], [0, 1, 1, 1], [], []>, transpose_lhs_hint = false} : vector<512x200xf32>, vector<512x128xf32>, vector<200x128xf32> -> vector<200x128xf32>
      %add3A_375 = arith.addf %get3A_372, %dot_general3A_374 : vector<200x128xf32>
      %swap3A_376 = arith.constant 3 : index
      %swap3A_377 = arith.constant 0 : index
      %swap3A_378 = arith.constant 0 : index
      %swap3A_379 = vector.load %arg12[%swap3A_376, %swap3A_377, %swap3A_378] : memref<8x200x128xf32, #tpu.memory_space<vmem>>, vector<1x200x128xf32>
      %swap3A_380 = vector.shape_cast %swap3A_379 : vector<1x200x128xf32> to vector<200x128xf32>
      %swap3A_381 = vector.shape_cast %add3A_375 : vector<200x128xf32> to vector<1x200x128xf32>
      tpu.vector_store %arg12[%swap3A_376, %swap3A_377, %swap3A_378], %swap3A_381 {strides = array<i32>} : memref<8x200x128xf32, #tpu.memory_space<vmem>>, vector<1x200x128xf32>,
      %slice3A_382 = vector.extract_strided_slice %exp3A {offsets = [0, 4], sizes = [512, 1], strides = [1, 1]} : vector<512x16xf32> to vector<512x1xf32>
      %mul3A_383 = vector.broadcast %slice3A_382 : vector<512x1xf32> to vector<512x200xf32>
      %mul3A_384 = arith.mulf %convert_element_type3A_293, %mul3A_383 : vector<512x200xf32>
      %get3A_385 = arith.constant 4 : index
      %get3A_386 = arith.constant 0 : index
      %get3A_387 = arith.constant 0 : index
      %get3A_388 = vector.load %arg12[%get3A_385, %get3A_386, %get3A_387] : memref<8x200x128xf32, #tpu.memory_space<vmem>>, vector<1x200x128xf32>
      %get3A_389 = vector.shape_cast %get3A_388 : vector<1x200x128xf32> to vector<200x128xf32>
      %dot_general3A_390 = arith.constant dense<0.000000e+00> : vector<200x128xf32>
      %dot_general3A_391 = tpu.matmul %mul3A_384, %get3A_286, %dot_general3A_390 {dimension_numbers = #tpu.dot_dimension_numbers<[0], [0], [1], [1], [0, 1, 1, 1], [], []>, transpose_lhs_hint = false} : vector<512x200xf32>, vector<512x128xf32>, vector<200x128xf32> -> vector<200x128xf32>
      %add3A_392 = arith.addf %get3A_389, %dot_general3A_391 : vector<200x128xf32>
      %swap3A_393 = arith.constant 4 : index
      %swap3A_394 = arith.constant 0 : index
      %swap3A_395 = arith.constant 0 : index
      %swap3A_396 = vector.load %arg12[%swap3A_393, %swap3A_394, %swap3A_395] : memref<8x200x128xf32, #tpu.memory_space<vmem>>, vector<1x200x128xf32>
      %swap3A_397 = vector.shape_cast %swap3A_396 : vector<1x200x128xf32> to vector<200x128xf32>
      %swap3A_398 = vector.shape_cast %add3A_392 : vector<200x128xf32> to vector<1x200x128xf32>
      tpu.vector_store %arg12[%swap3A_393, %swap3A_394, %swap3A_395], %swap3A_398 {strides = array<i32>} : memref<8x200x128xf32, #tpu.memory_space<vmem>>, vector<1x200x128xf32>,
      %slice3A_399 = vector.extract_strided_slice %exp3A {offsets = [0, 5], sizes = [512, 1], strides = [1, 1]} : vector<512x16xf32> to vector<512x1xf32>
      %mul3A_400 = vector.broadcast %slice3A_399 : vector<512x1xf32> to vector<512x200xf32>
      %mul3A_401 = arith.mulf %convert_element_type3A_293, %mul3A_400 : vector<512x200xf32>
      %get3A_402 = arith.constant 5 : index
      %get3A_403 = arith.constant 0 : index
      %get3A_404 = arith.constant 0 : index
      %get3A_405 = vector.load %arg12[%get3A_402, %get3A_403, %get3A_404] : memref<8x200x128xf32, #tpu.memory_space<vmem>>, vector<1x200x128xf32>
      %get3A_406 = vector.shape_cast %get3A_405 : vector<1x200x128xf32> to vector<200x128xf32>
      %dot_general3A_407 = arith.constant dense<0.000000e+00> : vector<200x128xf32>
      %dot_general3A_408 = tpu.matmul %mul3A_401, %get3A_286, %dot_general3A_407 {dimension_numbers = #tpu.dot_dimension_numbers<[0], [0], [1], [1], [0, 1, 1, 1], [], []>, transpose_lhs_hint = false} : vector<512x200xf32>, vector<512x128xf32>, vector<200x128xf32> -> vector<200x128xf32>
      %add3A_409 = arith.addf %get3A_406, %dot_general3A_408 : vector<200x128xf32>
      %swap3A_410 = arith.constant 5 : index
      %swap3A_411 = arith.constant 0 : index
      %swap3A_412 = arith.constant 0 : index
      %swap3A_413 = vector.load %arg12[%swap3A_410, %swap3A_411, %swap3A_412] : memref<8x200x128xf32, #tpu.memory_space<vmem>>, vector<1x200x128xf32>
      %swap3A_414 = vector.shape_cast %swap3A_413 : vector<1x200x128xf32> to vector<200x128xf32>
      %swap3A_415 = vector.shape_cast %add3A_409 : vector<200x128xf32> to vector<1x200x128xf32>
      tpu.vector_store %arg12[%swap3A_410, %swap3A_411, %swap3A_412], %swap3A_415 {strides = array<i32>} : memref<8x200x128xf32, #tpu.memory_space<vmem>>, vector<1x200x128xf32>,
      %slice3A_416 = vector.extract_strided_slice %exp3A {offsets = [0, 6], sizes = [512, 1], strides = [1, 1]} : vector<512x16xf32> to vector<512x1xf32>
      %mul3A_417 = vector.broadcast %slice3A_416 : vector<512x1xf32> to vector<512x200xf32>
      %mul3A_418 = arith.mulf %convert_element_type3A_293, %mul3A_417 : vector<512x200xf32>
      %get3A_419 = arith.constant 6 : index
      %get3A_420 = arith.constant 0 : index
      %get3A_421 = arith.constant 0 : index
      %get3A_422 = vector.load %arg12[%get3A_419, %get3A_420, %get3A_421] : memref<8x200x128xf32, #tpu.memory_space<vmem>>, vector<1x200x128xf32>
      %get3A_423 = vector.shape_cast %get3A_422 : vector<1x200x128xf32> to vector<200x128xf32>
      %dot_general3A_424 = arith.constant dense<0.000000e+00> : vector<200x128xf32>
      %dot_general3A_425 = tpu.matmul %mul3A_418, %get3A_286, %dot_general3A_424 {dimension_numbers = #tpu.dot_dimension_numbers<[0], [0], [1], [1], [0, 1, 1, 1], [], []>, transpose_lhs_hint = false} : vector<512x200xf32>, vector<512x128xf32>, vector<200x128xf32> -> vector<200x128xf32>
      %add3A_426 = arith.addf %get3A_423, %dot_general3A_425 : vector<200x128xf32>
      %swap3A_427 = arith.constant 6 : index
      %swap3A_428 = arith.constant 0 : index
      %swap3A_429 = arith.constant 0 : index
      %swap3A_430 = vector.load %arg12[%swap3A_427, %swap3A_428, %swap3A_429] : memref<8x200x128xf32, #tpu.memory_space<vmem>>, vector<1x200x128xf32>
      %swap3A_431 = vector.shape_cast %swap3A_430 : vector<1x200x128xf32> to vector<200x128xf32>
      %swap3A_432 = vector.shape_cast %add3A_426 : vector<200x128xf32> to vector<1x200x128xf32>
      tpu.vector_store %arg12[%swap3A_427, %swap3A_428, %swap3A_429], %swap3A_432 {strides = array<i32>} : memref<8x200x128xf32, #tpu.memory_space<vmem>>, vector<1x200x128xf32>,
      %slice3A_433 = vector.extract_strided_slice %exp3A {offsets = [0, 7], sizes = [512, 1], strides = [1, 1]} : vector<512x16xf32> to vector<512x1xf32>
      %mul3A_434 = vector.broadcast %slice3A_433 : vector<512x1xf32> to vector<512x200xf32>
      %mul3A_435 = arith.mulf %convert_element_type3A_293, %mul3A_434 : vector<512x200xf32>
      %get3A_436 = arith.constant 7 : index
      %get3A_437 = arith.constant 0 : index
      %get3A_438 = arith.constant 0 : index
      %get3A_439 = vector.load %arg12[%get3A_436, %get3A_437, %get3A_438] : memref<8x200x128xf32, #tpu.memory_space<vmem>>, vector<1x200x128xf32>
      %get3A_440 = vector.shape_cast %get3A_439 : vector<1x200x128xf32> to vector<200x128xf32>
      %dot_general3A_441 = arith.constant dense<0.000000e+00> : vector<200x128xf32>
      %dot_general3A_442 = tpu.matmul %mul3A_435, %get3A_286, %dot_general3A_441 {dimension_numbers = #tpu.dot_dimension_numbers<[0], [0], [1], [1], [0, 1, 1, 1], [], []>, transpose_lhs_hint = false} : vector<512x200xf32>, vector<512x128xf32>, vector<200x128xf32> -> vector<200x128xf32>
      %add3A_443 = arith.addf %get3A_440, %dot_general3A_442 : vector<200x128xf32>
      %swap3A_444 = arith.constant 7 : index
      %swap3A_445 = arith.constant 0 : index
      %swap3A_446 = arith.constant 0 : index
      %swap3A_447 = vector.load %arg12[%swap3A_444, %swap3A_445, %swap3A_446] : memref<8x200x128xf32, #tpu.memory_space<vmem>>, vector<1x200x128xf32>
      %swap3A_448 = vector.shape_cast %swap3A_447 : vector<1x200x128xf32> to vector<200x128xf32>
      %swap3A_449 = vector.shape_cast %add3A_443 : vector<200x128xf32> to vector<1x200x128xf32>
      tpu.vector_store %arg12[%swap3A_444, %swap3A_445, %swap3A_446], %swap3A_449 {strides = array<i32>} : memref<8x200x128xf32, #tpu.memory_space<vmem>>, vector<1x200x128xf32>,
      %while3A_450 = arith.constant 0 : i32
      scf.yield %while3A_450 : i32
    }
    %get3A_78 = arith.constant 0 : index
    %get3A_79 = arith.constant 0 : index
    %get3A_80 = vector.load %arg13[%get3A_78, %get3A_79] : memref<200x16xf32, #tpu.memory_space<vmem>>, vector<200x16xf32>
    %add3A_81 = arith.constant 1.000000e-16 : f32
    %add3A_82 = vector.broadcast %add3A_81 : f32 to vector<200x16xf32>
    %add3A_83 = arith.addf %get3A_80, %add3A_82 : vector<200x16xf32>
    %get3A_84 = arith.constant 0 : index
    %get3A_85 = arith.constant 0 : index
    %get3A_86 = arith.constant 0 : index
    %get3A_87 = vector.load %arg12[%get3A_84, %get3A_85, %get3A_86] : memref<8x200x128xf32, #tpu.memory_space<vmem>>, vector<1x200x128xf32>
    %get3A_88 = vector.shape_cast %get3A_87 : vector<1x200x128xf32> to vector<200x128xf32>
    %slice3A = vector.extract_strided_slice %add3A_83 {offsets = [0, 0], sizes = [200, 1], strides = [1, 1]} : vector<200x16xf32> to vector<200x1xf32>
    %div3A_89 = vector.broadcast %slice3A : vector<200x1xf32> to vector<200x128xf32>
    %div3A_90 = arith.divf %get3A_88, %div3A_89 : vector<200x128xf32>
    %get3A_91 = arith.constant 1 : index
    %get3A_92 = arith.constant 0 : index
    %get3A_93 = arith.constant 0 : index
    %get3A_94 = vector.load %arg12[%get3A_91, %get3A_92, %get3A_93] : memref<8x200x128xf32, #tpu.memory_space<vmem>>, vector<1x200x128xf32>
    %get3A_95 = vector.shape_cast %get3A_94 : vector<1x200x128xf32> to vector<200x128xf32>
    %slice3A_96 = vector.extract_strided_slice %add3A_83 {offsets = [0, 1], sizes = [200, 1], strides = [1, 1]} : vector<200x16xf32> to vector<200x1xf32>
    %div3A_97 = vector.broadcast %slice3A_96 : vector<200x1xf32> to vector<200x128xf32>
    %div3A_98 = arith.divf %get3A_95, %div3A_97 : vector<200x128xf32>
    %get3A_99 = arith.constant 0 : index
    %get3A_100 = arith.constant 0 : index
    %get3A_101 = arith.constant 0 : index
    %get3A_102 = vector.load %arg6[%get3A_99, %get3A_100, %get3A_101] : memref<8x128x128xf32, #tpu.memory_space<vmem>>, vector<1x128x128xf32>
    %get3A_103 = vector.shape_cast %get3A_102 : vector<1x128x128xf32> to vector<128x128xf32>
    %dot_general3A = arith.constant dense<0.000000e+00> : vector<200x128xf32>
    %dot_general3A_104 = tpu.matmul %div3A_90, %get3A_103, %dot_general3A {dimension_numbers = #tpu.dot_dimension_numbers<[1], [0], [0], [1], [0, 0, 1, 1], [], []>, transpose_lhs_hint = false} : vector<200x128xf32>, vector<128x128xf32>, vector<200x128xf32> -> vector<200x128xf32>
    %get3A_105 = arith.constant 1 : index
    %get3A_106 = arith.constant 0 : index
    %get3A_107 = arith.constant 0 : index
    %get3A_108 = vector.load %arg6[%get3A_105, %get3A_106, %get3A_107] : memref<8x128x128xf32, #tpu.memory_space<vmem>>, vector<1x128x128xf32>
    %get3A_109 = vector.shape_cast %get3A_108 : vector<1x128x128xf32> to vector<128x128xf32>
    %dot_general3A_110 = arith.constant dense<0.000000e+00> : vector<200x128xf32>
    %dot_general3A_111 = tpu.matmul %div3A_98, %get3A_109, %dot_general3A_110 {dimension_numbers = #tpu.dot_dimension_numbers<[1], [0], [0], [1], [0, 0, 1, 1], [], []>, transpose_lhs_hint = false} : vector<200x128xf32>, vector<128x128xf32>, vector<200x128xf32> -> vector<200x128xf32>
    %add3A_112 = arith.addf %dot_general3A_104, %dot_general3A_111 : vector<200x128xf32>
    %mul3A_113 = arith.constant 5.000000e-01 : f32
    %mul3A_114 = vector.broadcast %mul3A_113 : f32 to vector<200x128xf32>
    %mul3A_115 = arith.mulf %mul3A_114, %add3A_112 : vector<200x128xf32>
    %get3A_116 = arith.constant 0 : index
    %get3A_117 = arith.constant 0 : index
    %get3A_118 = vector.load %arg7[%get3A_116, %get3A_117] : memref<8x128xf32, #tpu.memory_space<vmem>>, vector<1x128xf32>
    %get3A_119 = vector.shape_cast %get3A_118 : vector<1x128xf32> to vector<128xf32>
    %broadcast_in_dim3A_120 = vector.shape_cast %get3A_119 : vector<128xf32> to vector<1x128xf32>
    %add3A_121 = vector.broadcast %broadcast_in_dim3A_120 : vector<1x128xf32> to vector<200x128xf32>
    %add3A_122 = arith.addf %mul3A_115, %add3A_121 : vector<200x128xf32>
    %get3A_123 = arith.constant 2 : index
    %get3A_124 = arith.constant 0 : index
    %get3A_125 = arith.constant 0 : index
    %get3A_126 = vector.load %arg12[%get3A_123, %get3A_124, %get3A_125] : memref<8x200x128xf32, #tpu.memory_space<vmem>>, vector<1x200x128xf32>
    %get3A_127 = vector.shape_cast %get3A_126 : vector<1x200x128xf32> to vector<200x128xf32>
    %slice3A_128 = vector.extract_strided_slice %add3A_83 {offsets = [0, 2], sizes = [200, 1], strides = [1, 1]} : vector<200x16xf32> to vector<200x1xf32>
    %div3A_129 = vector.broadcast %slice3A_128 : vector<200x1xf32> to vector<200x128xf32>
    %div3A_130 = arith.divf %get3A_127, %div3A_129 : vector<200x128xf32>
    %get3A_131 = arith.constant 3 : index
    %get3A_132 = arith.constant 0 : index
    %get3A_133 = arith.constant 0 : index
    %get3A_134 = vector.load %arg12[%get3A_131, %get3A_132, %get3A_133] : memref<8x200x128xf32, #tpu.memory_space<vmem>>, vector<1x200x128xf32>
    %get3A_135 = vector.shape_cast %get3A_134 : vector<1x200x128xf32> to vector<200x128xf32>
    %slice3A_136 = vector.extract_strided_slice %add3A_83 {offsets = [0, 3], sizes = [200, 1], strides = [1, 1]} : vector<200x16xf32> to vector<200x1xf32>
    %div3A_137 = vector.broadcast %slice3A_136 : vector<200x1xf32> to vector<200x128xf32>
    %div3A_138 = arith.divf %get3A_135, %div3A_137 : vector<200x128xf32>
    %get3A_139 = arith.constant 2 : index
    %get3A_140 = arith.constant 0 : index
    %get3A_141 = arith.constant 0 : index
    %get3A_142 = vector.load %arg6[%get3A_139, %get3A_140, %get3A_141] : memref<8x128x128xf32, #tpu.memory_space<vmem>>, vector<1x128x128xf32>
    %get3A_143 = vector.shape_cast %get3A_142 : vector<1x128x128xf32> to vector<128x128xf32>
    %dot_general3A_144 = arith.constant dense<0.000000e+00> : vector<200x128xf32>
    %dot_general3A_145 = tpu.matmul %div3A_130, %get3A_143, %dot_general3A_144 {dimension_numbers = #tpu.dot_dimension_numbers<[1], [0], [0], [1], [0, 0, 1, 1], [], []>, transpose_lhs_hint = false} : vector<200x128xf32>, vector<128x128xf32>, vector<200x128xf32> -> vector<200x128xf32>
    %get3A_146 = arith.constant 3 : index
    %get3A_147 = arith.constant 0 : index
    %get3A_148 = arith.constant 0 : index
    %get3A_149 = vector.load %arg6[%get3A_146, %get3A_147, %get3A_148] : memref<8x128x128xf32, #tpu.memory_space<vmem>>, vector<1x128x128xf32>
    %get3A_150 = vector.shape_cast %get3A_149 : vector<1x128x128xf32> to vector<128x128xf32>
    %dot_general3A_151 = arith.constant dense<0.000000e+00> : vector<200x128xf32>
    %dot_general3A_152 = tpu.matmul %div3A_138, %get3A_150, %dot_general3A_151 {dimension_numbers = #tpu.dot_dimension_numbers<[1], [0], [0], [1], [0, 0, 1, 1], [], []>, transpose_lhs_hint = false} : vector<200x128xf32>, vector<128x128xf32>, vector<200x128xf32> -> vector<200x128xf32>
    %add3A_153 = arith.addf %dot_general3A_145, %dot_general3A_152 : vector<200x128xf32>
    %mul3A_154 = arith.constant 5.000000e-01 : f32
    %mul3A_155 = vector.broadcast %mul3A_154 : f32 to vector<200x128xf32>
    %mul3A_156 = arith.mulf %mul3A_155, %add3A_153 : vector<200x128xf32>
    %get3A_157 = arith.constant 1 : index
    %get3A_158 = arith.constant 0 : index
    %get3A_159 = vector.load %arg7[%get3A_157, %get3A_158] : memref<8x128xf32, #tpu.memory_space<vmem>>, vector<1x128xf32>
    %get3A_160 = vector.shape_cast %get3A_159 : vector<1x128xf32> to vector<128xf32>
    %broadcast_in_dim3A_161 = vector.shape_cast %get3A_160 : vector<128xf32> to vector<1x128xf32>
    %add3A_162 = vector.broadcast %broadcast_in_dim3A_161 : vector<1x128xf32> to vector<200x128xf32>
    %add3A_163 = arith.addf %mul3A_156, %add3A_162 : vector<200x128xf32>
    %get3A_164 = arith.constant 4 : index
    %get3A_165 = arith.constant 0 : index
    %get3A_166 = arith.constant 0 : index
    %get3A_167 = vector.load %arg12[%get3A_164, %get3A_165, %get3A_166] : memref<8x200x128xf32, #tpu.memory_space<vmem>>, vector<1x200x128xf32>
    %get3A_168 = vector.shape_cast %get3A_167 : vector<1x200x128xf32> to vector<200x128xf32>
    %slice3A_169 = vector.extract_strided_slice %add3A_83 {offsets = [0, 4], sizes = [200, 1], strides = [1, 1]} : vector<200x16xf32> to vector<200x1xf32>
    %div3A_170 = vector.broadcast %slice3A_169 : vector<200x1xf32> to vector<200x128xf32>
    %div3A_171 = arith.divf %get3A_168, %div3A_170 : vector<200x128xf32>
    %get3A_172 = arith.constant 5 : index
    %get3A_173 = arith.constant 0 : index
    %get3A_174 = arith.constant 0 : index
    %get3A_175 = vector.load %arg12[%get3A_172, %get3A_173, %get3A_174] : memref<8x200x128xf32, #tpu.memory_space<vmem>>, vector<1x200x128xf32>
    %get3A_176 = vector.shape_cast %get3A_175 : vector<1x200x128xf32> to vector<200x128xf32>
    %slice3A_177 = vector.extract_strided_slice %add3A_83 {offsets = [0, 5], sizes = [200, 1], strides = [1, 1]} : vector<200x16xf32> to vector<200x1xf32>
    %div3A_178 = vector.broadcast %slice3A_177 : vector<200x1xf32> to vector<200x128xf32>
    %div3A_179 = arith.divf %get3A_176, %div3A_178 : vector<200x128xf32>
    %get3A_180 = arith.constant 4 : index
    %get3A_181 = arith.constant 0 : index
    %get3A_182 = arith.constant 0 : index
    %get3A_183 = vector.load %arg6[%get3A_180, %get3A_181, %get3A_182] : memref<8x128x128xf32, #tpu.memory_space<vmem>>, vector<1x128x128xf32>
    %get3A_184 = vector.shape_cast %get3A_183 : vector<1x128x128xf32> to vector<128x128xf32>
    %dot_general3A_185 = arith.constant dense<0.000000e+00> : vector<200x128xf32>
    %dot_general3A_186 = tpu.matmul %div3A_171, %get3A_184, %dot_general3A_185 {dimension_numbers = #tpu.dot_dimension_numbers<[1], [0], [0], [1], [0, 0, 1, 1], [], []>, transpose_lhs_hint = false} : vector<200x128xf32>, vector<128x128xf32>, vector<200x128xf32> -> vector<200x128xf32>
    %get3A_187 = arith.constant 5 : index
    %get3A_188 = arith.constant 0 : index
    %get3A_189 = arith.constant 0 : index
    %get3A_190 = vector.load %arg6[%get3A_187, %get3A_188, %get3A_189] : memref<8x128x128xf32, #tpu.memory_space<vmem>>, vector<1x128x128xf32>
    %get3A_191 = vector.shape_cast %get3A_190 : vector<1x128x128xf32> to vector<128x128xf32>
    %dot_general3A_192 = arith.constant dense<0.000000e+00> : vector<200x128xf32>
    %dot_general3A_193 = tpu.matmul %div3A_179, %get3A_191, %dot_general3A_192 {dimension_numbers = #tpu.dot_dimension_numbers<[1], [0], [0], [1], [0, 0, 1, 1], [], []>, transpose_lhs_hint = false} : vector<200x128xf32>, vector<128x128xf32>, vector<200x128xf32> -> vector<200x128xf32>
    %add3A_194 = arith.addf %dot_general3A_186, %dot_general3A_193 : vector<200x128xf32>
    %mul3A_195 = arith.constant 5.000000e-01 : f32
    %mul3A_196 = vector.broadcast %mul3A_195 : f32 to vector<200x128xf32>
    %mul3A_197 = arith.mulf %mul3A_196, %add3A_194 : vector<200x128xf32>
    %get3A_198 = arith.constant 2 : index
    %get3A_199 = arith.constant 0 : index
    %get3A_200 = vector.load %arg7[%get3A_198, %get3A_199] : memref<8x128xf32, #tpu.memory_space<vmem>>, vector<1x128xf32>
    %get3A_201 = vector.shape_cast %get3A_200 : vector<1x128xf32> to vector<128xf32>
    %broadcast_in_dim3A_202 = vector.shape_cast %get3A_201 : vector<128xf32> to vector<1x128xf32>
    %add3A_203 = vector.broadcast %broadcast_in_dim3A_202 : vector<1x128xf32> to vector<200x128xf32>
    %add3A_204 = arith.addf %mul3A_197, %add3A_203 : vector<200x128xf32>
    %get3A_205 = arith.constant 6 : index
    %get3A_206 = arith.constant 0 : index
    %get3A_207 = arith.constant 0 : index
    %get3A_208 = vector.load %arg12[%get3A_205, %get3A_206, %get3A_207] : memref<8x200x128xf32, #tpu.memory_space<vmem>>, vector<1x200x128xf32>
    %get3A_209 = vector.shape_cast %get3A_208 : vector<1x200x128xf32> to vector<200x128xf32>
    %slice3A_210 = vector.extract_strided_slice %add3A_83 {offsets = [0, 6], sizes = [200, 1], strides = [1, 1]} : vector<200x16xf32> to vector<200x1xf32>
    %div3A_211 = vector.broadcast %slice3A_210 : vector<200x1xf32> to vector<200x128xf32>
    %div3A_212 = arith.divf %get3A_209, %div3A_211 : vector<200x128xf32>
    %get3A_213 = arith.constant 7 : index
    %get3A_214 = arith.constant 0 : index
    %get3A_215 = arith.constant 0 : index
    %get3A_216 = vector.load %arg12[%get3A_213, %get3A_214, %get3A_215] : memref<8x200x128xf32, #tpu.memory_space<vmem>>, vector<1x200x128xf32>
    %get3A_217 = vector.shape_cast %get3A_216 : vector<1x200x128xf32> to vector<200x128xf32>
    %slice3A_218 = vector.extract_strided_slice %add3A_83 {offsets = [0, 7], sizes = [200, 1], strides = [1, 1]} : vector<200x16xf32> to vector<200x1xf32>
    %div3A_219 = vector.broadcast %slice3A_218 : vector<200x1xf32> to vector<200x128xf32>
    %div3A_220 = arith.divf %get3A_217, %div3A_219 : vector<200x128xf32>
    %get3A_221 = arith.constant 6 : index
    %get3A_222 = arith.constant 0 : index
    %get3A_223 = arith.constant 0 : index
    %get3A_224 = vector.load %arg6[%get3A_221, %get3A_222, %get3A_223] : memref<8x128x128xf32, #tpu.memory_space<vmem>>, vector<1x128x128xf32>
    %get3A_225 = vector.shape_cast %get3A_224 : vector<1x128x128xf32> to vector<128x128xf32>
    %dot_general3A_226 = arith.constant dense<0.000000e+00> : vector<200x128xf32>
    %dot_general3A_227 = tpu.matmul %div3A_212, %get3A_225, %dot_general3A_226 {dimension_numbers = #tpu.dot_dimension_numbers<[1], [0], [0], [1], [0, 0, 1, 1], [], []>, transpose_lhs_hint = false} : vector<200x128xf32>, vector<128x128xf32>, vector<200x128xf32> -> vector<200x128xf32>
    %get3A_228 = arith.constant 7 : index
    %get3A_229 = arith.constant 0 : index
    %get3A_230 = arith.constant 0 : index
    %get3A_231 = vector.load %arg6[%get3A_228, %get3A_229, %get3A_230] : memref<8x128x128xf32, #tpu.memory_space<vmem>>, vector<1x128x128xf32>
    %get3A_232 = vector.shape_cast %get3A_231 : vector<1x128x128xf32> to vector<128x128xf32>
    %dot_general3A_233 = arith.constant dense<0.000000e+00> : vector<200x128xf32>
    %dot_general3A_234 = tpu.matmul %div3A_220, %get3A_232, %dot_general3A_233 {dimension_numbers = #tpu.dot_dimension_numbers<[1], [0], [0], [1], [0, 0, 1, 1], [], []>, transpose_lhs_hint = false} : vector<200x128xf32>, vector<128x128xf32>, vector<200x128xf32> -> vector<200x128xf32>
    %add3A_235 = arith.addf %dot_general3A_227, %dot_general3A_234 : vector<200x128xf32>
    %mul3A_236 = arith.constant 5.000000e-01 : f32
    %mul3A_237 = vector.broadcast %mul3A_236 : f32 to vector<200x128xf32>
    %mul3A_238 = arith.mulf %mul3A_237, %add3A_235 : vector<200x128xf32>
    %get3A_239 = arith.constant 3 : index
    %get3A_240 = arith.constant 0 : index
    %get3A_241 = vector.load %arg7[%get3A_239, %get3A_240] : memref<8x128xf32, #tpu.memory_space<vmem>>, vector<1x128xf32>
    %get3A_242 = vector.shape_cast %get3A_241 : vector<1x128xf32> to vector<128xf32>
    %broadcast_in_dim3A_243 = vector.shape_cast %get3A_242 : vector<128xf32> to vector<1x128xf32>
    %add3A_244 = vector.broadcast %broadcast_in_dim3A_243 : vector<1x128xf32> to vector<200x128xf32>
    %add3A_245 = arith.addf %mul3A_238, %add3A_244 : vector<200x128xf32>
    %logistic3A = arith.negf %add3A_122 : vector<200x128xf32>
    %logistic3A_246 = math.exp %logistic3A : vector<200x128xf32>
    %logistic3A_247 = arith.constant 1.000000e+00 : f32
    %logistic3A_248 = vector.broadcast %logistic3A_247 : f32 to vector<200x128xf32>
    %logistic3A_249 = arith.addf %logistic3A_248, %logistic3A_246 : vector<200x128xf32>
    %logistic3A_250 = arith.divf %logistic3A_248, %logistic3A_249 : vector<200x128xf32>
    %logistic3A_251 = arith.negf %add3A_163 : vector<200x128xf32>
    %logistic3A_252 = math.exp %logistic3A_251 : vector<200x128xf32>
    %logistic3A_253 = arith.constant 1.000000e+00 : f32
    %logistic3A_254 = vector.broadcast %logistic3A_253 : f32 to vector<200x128xf32>
    %logistic3A_255 = arith.addf %logistic3A_254, %logistic3A_252 : vector<200x128xf32>
    %logistic3A_256 = arith.divf %logistic3A_254, %logistic3A_255 : vector<200x128xf32>
    %tanh3A = math.tanh %add3A_204 : vector<200x128xf32>
    %logistic3A_257 = arith.negf %add3A_245 : vector<200x128xf32>
    %logistic3A_258 = math.exp %logistic3A_257 : vector<200x128xf32>
    %logistic3A_259 = arith.constant 1.000000e+00 : f32
    %logistic3A_260 = vector.broadcast %logistic3A_259 : f32 to vector<200x128xf32>
    %logistic3A_261 = arith.addf %logistic3A_260, %logistic3A_258 : vector<200x128xf32>
    %logistic3A_262 = arith.divf %logistic3A_260, %logistic3A_261 : vector<200x128xf32>
    %mul3A_263 = arith.mulf %logistic3A_256, %logistic3A_250 : vector<200x128xf32>
    %mul3A_264 = arith.mulf %mul3A_263, %tanh3A : vector<200x128xf32>
    %swap3A_265 = arith.constant 0 : index
    %swap3A_266 = arith.constant 0 : index
    %swap3A_267 = vector.load %arg9[%swap3A_265, %swap3A_266] : memref<200x128xf32, #tpu.memory_space<vmem>>, vector<200x128xf32>
    tpu.vector_store %arg9[%swap3A_265, %swap3A_266], %mul3A_264 {strides = array<i32>} : memref<200x128xf32, #tpu.memory_space<vmem>>, vector<200x128xf32>,
    %tanh3A_268 = math.tanh %mul3A_264 : vector<200x128xf32>
    %mul3A_269 = arith.mulf %logistic3A_262, %tanh3A_268 : vector<200x128xf32>
    %swap3A_270 = arith.constant 0 : index
    %swap3A_271 = arith.constant 0 : index
    %swap3A_272 = vector.load %arg8[%swap3A_270, %swap3A_271] : memref<200x128xf32, #tpu.memory_space<vmem>>, vector<200x128xf32>
    tpu.vector_store %arg8[%swap3A_270, %swap3A_271], %mul3A_269 {strides = array<i32>} : memref<200x128xf32, #tpu.memory_space<vmem>>, vector<200x128xf32>,
    return
  }
  func.func @transform_2(%arg0: i32, %arg1: memref<51xi32, #tpu.memory_space<smem>>) -> (i32, i32) {
    %c0_i32 = arith.constant 0 : i32
    %c0_i32_0 = arith.constant 0 : i32
    %c0_i32_1 = arith.constant 0 : i32
    return %c0_i32, %c0_i32_0 : i32, i32
  }
  func.func @transform_3(%arg0: i32, %arg1: memref<51xi32, #tpu.memory_space<smem>>) -> (i32, i32) {
    %c0_i32 = arith.constant 0 : i32
    %c0_i32_0 = arith.constant 0 : i32
    return %arg0, %c0_i32 : i32, i32
  }
  func.func @transform_4(%arg0: i32, %arg1: memref<51xi32, #tpu.memory_space<smem>>) -> (i32, i32, i32) {
    %c0_i32 = arith.constant 0 : i32
    %c0_i32_0 = arith.constant 0 : i32
    %c0_i32_1 = arith.constant 0 : i32
    %c0_i32_2 = arith.constant 0 : i32
    return %c0_i32, %c0_i32_0, %c0_i32_1 : i32, i32, i32
  }
  func.func @transform_5(%arg0: i32, %arg1: memref<51xi32, #tpu.memory_space<smem>>) -> (i32, i32) {
    %c0_i32 = arith.constant 0 : i32
    %c0_i32_0 = arith.constant 0 : i32
    %c0_i32_1 = arith.constant 0 : i32
    return %c0_i32, %c0_i32_0 : i32, i32
  }
  func.func @transform_6(%arg0: i32, %arg1: memref<51xi32, #tpu.memory_space<smem>>) -> (i32, i32) {
    %c0_i32 = arith.constant 0 : i32
    %c0_i32_0 = arith.constant 0 : i32
    return %arg0, %c0_i32 : i32, i32
  }
  func.func @transform_7(%arg0: i32, %arg1: memref<51xi32, #tpu.memory_space<smem>>) -> (i32, i32) {
    %c0_i32 = arith.constant 0 : i32
    %c0_i32_0 = arith.constant 0 : i32
    return %arg0, %c0_i32 : i32, i32
  }
}

</mosaic_0001>

<sc_bundles>
// kernel: kernel.5.cloned.1.call-start
scs
__scs_entry_jumppad:
0x0: {  	(pc) =	sbr.rel $0x88, $3  }
0x1: {  	(tag) =	ssettag $0x0;
	lr =	simm.s32 $0x1  }
0x2: {  	[smem:$0x3F91] =	sst lr;
	_ =	strace $0xD0000000  }
0x3: {  	_ = 	snop  }
0x4: {  	_ = 	snop  }
0x5: {  	_ = 	snop  }
0x6: {  	_ = 	snop  }
0x7: {  	_ = 	snop  }
__scs_overlays_trampoline_lowered:
0x8: {  	[smem:$0x3FA0] =	sst s0  }
0x9: {  	[smem:$0x3FA1] =	sst s1  }
0xa: {  	[smem:$0x3FA2] =	sst s2  }
0xb: {  	[smem:$0x3FA3] =	sst s3  }
0xc: {  	[smem:$0x3FA4] =	sst s4  }
0xd: {  	[smem:$0x3FA5] =	sst s5  }
0xe: {  	[smem:$0x3FA6] =	sst s6  }
0xf: {  	[smem:$0x3FA7] =	sst s7  }
0x10: {  	[smem:$0x3FA8] =	sst s8  }
0x11: {  	[smem:$0x3FA9] =	sst s9;
	s0 =	simm.s32 @!p0 $0x0  }
0x12: {  	s1 =	sld [smem:$0x3F8F];
	s0 =	simm.s32 @p0 $0x1  }
0x13: {  	[smem:$0x3FAA] =	sst s0;
	s0 =	simm.s32 @!p1 $0x0  }
0x14: {  	s2 =	sld [smem:$0x3F8E];
	s0 =	simm.s32 @p1 $0x1  }
0x15: {  	[smem:$0x3FAB] =	sst s0;
	s0 =	simm.s32 @!p2 $0x0  }
0x16: {  	s3 =	sld [smem:$0x3FDB];
	s0 =	simm.s32 @p2 $0x1  }
0x17: {  	s4 =	simm.s32 $0x1BF5;
	[smem:$0x3FAD] =	sst s0  }
0x18: {  	s0 =	sld [smem:$0x3F90];
	_ =	swait.ge [sflag:s4], $0x0  }
0x19: {  	s7 =	sld [smem:$0x3F91]  }
0x1a: {  	s8 =	sadd.s32 $0xFFFFE003, lr  }
0x1b: {  	s9 =	sadd.s32 $0xFFFFFEF7, lr;
	s5 =	simm.s32 $0xFFFFFFFF;
	p2 =	slt.u32 s8, $0xFFFFF086  }
0x1c: {  	p1 =	slt.u32 s9, $0xF7A;
	s5 =	simm.s32 @!p2 $0x0  }
0x1d: {  	s5 =	simm.s32 @p1 $0x1;
	p0 =	seq.s32 s7, s2  }
0x1e: {  	s7 =	smul.u32 @!p0 $0xF7A, s2;
	p2 =	seq.s32 @!p0 s5, $0x0  }
0x1f: {  	s9 =	smul.u32 $0xF7A, s1;
	s8 =	simm.s32 @!p0 $0x1BF5;
	p2 =	por !p2, p0  }
0x20: {  	[sflag:s8] =	ssyncset.s32 @!p0 $0xFFFFF086;
	s6 =	sadd.s32 @!p0 s3, s7;
	s7 =	simm.s32 @!p0 $0x108  }
0x21: {  	s3 =	sadd.s32 s3, s9;
	s6 =	sadd.s32 @!p0 $0x88, s6;
	s7 =	simm.s32 @p2 $0x1082  }
0x22: {  	[simem:s7], [sflag:s8] =	dma.local @!p0 [hbm:s6], $0xF7A  }
0x23: {  	s9 =	sor.u32 $0xD0000000, s2;
	s6 =	simm.s32 $0x108;
	_ =	swait.ge @!p0 [sflag:s8], $0x0  }
0x24: {  	s3 =	sadd.s32 $0x88, s3;
	s6 =	simm.s32 @!p1 $0x1082;
	[sflag:s4] =	ssyncset.s32 $0xFFFFF086  }
0x25: {  	[simem:s6], [sflag:s4] =	dma.local [hbm:s3], $0xF7A  }
0x26: {  	[smem:$0x3F91] =	sst s1;
	(tag) =	ssettag s2;
	_ =	strace s9  }
0x27: {  	s1 =	sld [smem:$0x3FA1]  }
0x28: {  	s2 =	sld [smem:$0x3FA2]  }
0x29: {  	s4 =	sld [smem:$0x3FA4]  }
0x2a: {  	p0 =	seq.s32 s5, $0x0;
	s5 =	sld [smem:$0x3FA5]  }
0x2b: {  	s6 =	sld [smem:$0x3FA6]  }
0x2c: {  	s7 =	sld [smem:$0x3FA7]  }
0x2d: {  	s3 =	simm.s32 $0x108;
	s8 =	sld [smem:$0x3FA8]  }
0x2e: {  	s3 =	simm.s32 @!p0 $0x1082;
	s9 =	sld [smem:$0x3FA9]  }
0x2f: {  	lr =	sadd.s32 s0, s3;
	s0 =	sld [smem:$0x3FA0]  }
0x30: {  	s3 =	sld [smem:$0x3FA3]  }
0x31: {  	[smem:$0x3FAC] =	sst s10  }
0x32: {  	s10 =	sld [smem:$0x3FAA];
	_ =	sdelay $0x3  }
0x33: {  	p0 =	seq.s32 s10, $0x1;
	s10 =	sld [smem:$0x3FAC];
	_ =	sdelay $0x3  }
0x34: {  	[smem:$0x3FAC] =	sst s10  }
0x35: {  	s10 =	sld [smem:$0x3FAB];
	_ =	sdelay $0x3  }
0x36: {  	p1 =	seq.s32 s10, $0x1;
	s10 =	sld [smem:$0x3FAC];
	_ =	sdelay $0x3  }
0x37: {  	[smem:$0x3FAC] =	sst s10  }
0x38: {  	s10 =	sld [smem:$0x3FAD]  }
0x39: {  	_ = 	snop;
	(pc) =	sbr.ind lr, $3  }
0x3a: {  	_ = 	snop  }
0x3b: {  	_ = 	snop  }
0x3c: {  	p2 =	seq.s32 s10, $0x1;
	s10 =	sld [smem:$0x3FAC]  }
0x3d: {  	_ =	shalt  }
0x3e: {  	_ =	shalt  }
0x3f: {  	_ =	shalt  }
0x40: {  	_ =	shalt  }
0x41: {  	_ =	shalt  }
0x42: {  	_ =	shalt  }
0x43: {  	_ =	shalt  }
0x44: {  	_ =	shalt  }
0x45: {  	_ =	shalt  }
0x46: {  	_ =	shalt  }
0x47: {  	_ =	shalt  }
0x48: {  	_ =	shalt  }
0x49: {  	_ =	shalt  }
0x4a: {  	_ =	shalt  }
0x4b: {  	_ =	shalt  }
0x4c: {  	_ =	shalt  }
0x4d: {  	_ =	shalt  }
0x4e: {  	_ =	shalt  }
0x4f: {  	_ =	shalt  }
0x50: {  	_ =	shalt  }
0x51: {  	_ =	shalt  }
0x52: {  	_ =	shalt  }
0x53: {  	_ =	shalt  }
0x54: {  	_ =	shalt  }
0x55: {  	_ =	shalt  }
0x56: {  	_ =	shalt  }
0x57: {  	_ =	shalt  }
0x58: {  	_ =	shalt  }
0x59: {  	_ =	shalt  }
0x5a: {  	_ =	shalt  }
0x5b: {  	_ =	shalt  }
0x5c: {  	_ =	shalt  }
0x5d: {  	_ =	shalt  }
0x5e: {  	_ =	shalt  }
0x5f: {  	_ =	shalt  }
0x60: {  	_ =	shalt  }
0x61: {  	_ =	shalt  }
0x62: {  	_ =	shalt  }
0x63: {  	_ =	shalt  }
0x64: {  	_ =	shalt  }
0x65: {  	_ =	shalt  }
0x66: {  	_ =	shalt  }
0x67: {  	_ =	shalt  }
0x68: {  	_ =	shalt  }
0x69: {  	_ =	shalt  }
0x6a: {  	_ =	shalt  }
0x6b: {  	_ =	shalt  }
0x6c: {  	_ =	shalt  }
0x6d: {  	_ =	shalt  }
0x6e: {  	_ =	shalt  }
0x6f: {  	_ =	shalt  }
0x70: {  	_ =	shalt  }
0x71: {  	_ =	shalt  }
0x72: {  	_ =	shalt  }
0x73: {  	_ =	shalt  }
0x74: {  	_ =	shalt  }
0x75: {  	_ =	shalt  }
0x76: {  	_ =	shalt  }
0x77: {  	_ =	shalt  }
0x78: {  	_ =	shalt  }
0x79: {  	_ =	shalt  }
0x7a: {  	_ =	shalt  }
0x7b: {  	_ =	shalt  }
0x7c: {  	_ =	shalt  }
0x7d: {  	_ =	shalt  }
0x7e: {  	_ =	shalt  }
0x7f: {  	_ =	shalt  }
0x80: {  	_ =	shalt  }
0x81: {  	_ =	shalt  }
0x82: {  	_ =	shalt  }
0x83: {  	_ =	shalt  }
0x84: {  	_ =	shalt  }
0x85: {  	_ =	shalt  }
0x86: {  	_ =	shalt  }
0x87: {  	_ =	shalt  }
.Lfunc_end0:
.L_simem_size_0:
called_computation_lowered:
.L_overlay_start_0:
0x88: {  	s2 =	sld [smem:$0x3FD9]  }
0x89: {  	s3 =	sld [smem:$0x3FFE];
	_ =	sdelay $0x1  }
0x8a: {  	s1 =	srdreg.scid  }
0x8b: {  	s0 =	sand.u32 $0x1, s1  }
0x8c: {  	s14 =	sshll.u32 s0, $0xA;
	s2 =	sadd.s32 s3, s2  }
0x8d: {  	s2 =	sadd.s32 s2, s14  }
0x8e: {  	[smem:$0x3FB8] =	sst s2  }
0x8f: {  	_ = 	snop  }
0x90: {  	s2 =	sld [smem:$0x3FD0];
	_ =	sdelay $0x2  }
0x91: {  	s4 =	simm.s32 $0xA;
	s5 =	simm.s32 $0x10;
	s15 =	sld [smem:$0x3FC9]  }
0x92: {  	[smem:s5], [sflag:s4] =	dma.local [hbm:s2], $0x1  }
0x93: {  	_ =	swait.eq [sflag:s4], $0x1  }
0x94: {  	[sflag:s4] =	ssyncset.done $0x0  }
0x95: {  	[sflag:s4] =	ssyncadd.s32 $0xFFFFFFFF  }
0x96: {  	s16 =	sld [smem:$0x11];
	(tm) =	ssettm $0x1  }
0x97: {  	s17 =	sld [smem:$0x3FFB];
	_ =	sdelay $0x3  }
0x98: {  	_ =	strace s17  }
0x99: {  	s4 =	sld [smem:$0x3FFC];
	_ =	sdelay $0x3  }
0x9a: {  	_ =	strace s4  }
0x9b: {  	s4 =	sld [smem:$0x3FFD];
	_ =	sdelay $0x3  }
0x9c: {  	_ =	strace s4  }
0x9d: {  	_ =	strace $0x8FFFFFFF  }
0x9e: {  	s18 =	sld [smem:$0x3FDB];
	_ =	sdelay $0x1  }
0x9f: {  	s19 =	simm.s32 $_scs_section_size  }
0xa0: {  	s6 =	simm.s32 $_size__tile_overlayer_lowered;
	s7 =	simm.s32 $_tile_overlayer_lowered  }
0xa1: {  	s22 =	simm.s32 $0x1BFF;
	s21 =	sshll.u32 s7, $0x1;
	s4 =	sadd.s32 s19, s18  }
0xa2: {  	s8 =	simm.s32 $0x0;
	s20 =	sshll.u32 s6, $0x1;
	s6 =	sadd.s32 s21, s4  }
0xa3: {  	[timem:s8], [sflag:s22] =	dma.local [hbm:s6], s20  }
0xa4: {  	_ =	swait.ge [sflag:s22], s20  }
0xa5: {  	s5 =	ssub.s32 $0x0, s20;
	[sflag:s22] =	ssyncset.done $0x0  }
0xa6: {  	[sflag:s22] =	ssyncadd.s32 s5;
	_ =	sdelay $0x1  }
0xa7: {  	s23 =	simm.s32 $0x1B8B  }
0xa8: {  	_ =	swait.ge [sflag:s23], $0x1  }
0xa9: {  	[sflag:s23] =	ssyncset.done $0x0  }
0xaa: {  	s25 =	simm.s32 $0x1B8E;
	s24 =	sld [smem:$0x3FFE];
	[sflag:s23] =	ssyncadd.s32 $0xFFFFFFFF  }
0xab: {  	s26 =	simm.s32 $execute0_lowered;
	[smem:$0x3FD2] =	sst s25  }
0xac: {  	s6 =	sshll.u32 s26, $0x1;
	_ =	strace $0x80000046;
	[dreg:$0x1] =	wrdreg $0xFFFFFFFF  }
0xad: {  	s28 =	simm.s32 $_size_execute0_lowered;
	s4 =	sadd.s32 s4, s6;
	[dreg:$0x0] =	wrdreg $0x0  }
0xae: {  	s6 =	sshll.u32 s28, $0x1;
	[dreg:$0x2] =	wrdreg s4  }
0xaf: {  	[dreg:$0x3] =	wrdreg s6  }
0xb0: {  	[dreg:$0x4] =	wrdreg $0xC0  }
0xb1: {  	_ =	task [dreg:s8], $0x5FFFF  }
0xb2: {  	[dreg:$0x1] =	wrdreg $0xFFFFFFFF  }
0xb3: {  	[dreg:$0x0] =	wrdreg $0x60  }
0xb4: {  	[dreg:$0x2] =	wrdreg s15  }
0xb5: {  	[dreg:$0x3] =	wrdreg s16  }
0xb6: {  	[dreg:$0x4] =	wrdreg s24  }
0xb7: {  	[dreg:$0x5] =	wrdreg $0x9  }
0xb8: {  	_ =	task.clear_ibuf [dreg:s8], $0x6FFFF;
	_ =	strace $0x90000046  }
0xb9: {  	s29 =	simm.s32 $0x9;
	_ =	strace $0x80000048  }
0xba: {  	_ =	swait.ge [sflag:s29], $0x1  }
0xbb: {  	[sflag:s29] =	ssyncadd.s32 $0xFFFFFFFF  }
0xbc: {  	_ =	strace $0x90000048  }
0xbd: {  	_ =	sfence  }
0xbe: {  	s30 =	sld [smem:$0x0];
	_ =	sdelay $0x2  }
0xbf: {  	s31 =	sshll.u32 s1, $0xD;
	s1 =	sshrl.u32 s1, $0x2  }
0xc0: {  	s3 =	sand.u32 $0x4000, s31;
	s1 =	sadd.s32 s1, s30  }
0xc1: {  	s0 =	sor.u32 s3, s0;
	s1 =	sshll.u32 s1, $0x11  }
0xc2: {  	s0 =	sor.u32 s1, s0  }
0xc3: {  	s0 =	sadd.s32 $0x8F2B, s0  }
0xc4: {  	[sflag:s0] =	ssyncadd.remote.s32 $0x1  }
0xc5: {  	_ =	sfence.sel $0xFFFF  }
0xc6: {  	[dreg:$0x0] =	wrdreg $0xFFFFFFFF;
	(pc) =	sbr.abs _section_cstart, $3  }
0xc7: {  	[dreg:$0x1] =	wrdreg $0xFFFFFFFF  }
0xc8: {  	_ =	task.clear_ibuf [dreg:s8], $0x2FFFF;
	_ =	strace $0x9FFFFFFF  }
0xc9: {  	(tm) =	ssettm $0x7FFFFFFF  }
tec
execute0_lowered:
.L_overlay_start_1:
0x0: {  	(tag) =	ssettag $0x1  }
0x1: {  	s1 =	rddreg [dreg:$0x0]  }
0x2: {  	s6 =	rddreg [dreg:$0x1]  }
0x3: {  	s0 =	srdreg.scid;
	s2 =	stileid.u32  }
0x4: {  	s4 =	rddreg [dreg:$0x2];
	s5 =	sand.u32 $0x1, s0;
	s9 =	smul.u32 $0x1500, s2  }
0x5: {  	s3 =	simm.s32 $0x0;
	s0 =	rddreg [dreg:$0x3];
	s7 =	smul.u32 $0x150000, s5  }
0x6: {  	[smem:$0x7FF] =	sst s3;
	s8 =	smul.u32 $0x15000, s5;
	s5 =	ssub.s32 $0x2, s5  }
0x7: {  	s10 =	smul.u32 $0x15000, s2;
	_ =	strace $0x80000047;
	s30 =	sshrl.u32 s5, $0x1  }
0x8: {  	s7 =	sadd.s32 s7, s4;
	s4 =	ssub.s32 s5, s30;
	s31 =	sadd.s32 s9, s8  }
0x9: {  	s9 =	simm.s32 $0x1;
	s4 =	smax.u32 s4, $0x1;
	s7 =	sadd.s32 s10, s7  }
0xa: {  	s8 =	sshrl.u32 s31, $0x3;
	s10 =	simm.s32 $0x0;
	s5 =	sadd.s32 $0x1800, s7  }
0xb: {  	s6 =	sadd.s32 s8, s6;
	s7 =	simm.s32 $0x2;
	s8 =	simm.s32 $0x80  }
.LBB2_1:
0xc: {  	s11 =	sadd.s32 $0x0, s6  }
0xd: {  	[tilespmem:s3], [sflag:$0x2] =	stream.linear.gather [hbm4b:s11+s3], $0x80, $0x38;
	[tilespmem:$0x4080] =	vst v63  }
0xe: {  	_ =	swait.ge [sflag:s7], $0x80  }
0xf: {  	[sflag:s7] =	ssyncset.done $0x0  }
0x10: {  	[sflag:s7] =	ssyncadd.s32 $0xFFFFFF80  }
0x11: {  	[tilespmem:s8], [sflag:$0x1] =	stream.indirect.gather [hbm4b:s1+s8], $0x80, s3, s8, $0xb8;
	[tilespmem:$0x4080] =	vst v63  }
0x12: {  	_ =	swait.ge [sflag:s9], $0x4000  }
0x13: {  	[sflag:s9] =	ssyncset.done $0x0  }
0x14: {  	[sflag:s9] =	ssyncadd.s32 $0xFFFFC000  }
0x15: {  	[hbm4b:s5+s3] =	stream.linear.scatter [tilespmem:s8], [sflag:$0x2], $0x4000, $0x38;
	[tilespmem:$0x4080] =	vst v63  }
0x16: {  	s12 =	simm.s32 $0x10;
	_ =	swait.ge [sflag:s7], $0x4000  }
0x17: {  	s13 =	simm.s32 $0x20;
	s11 =	sadd.s32 $0x800, s5;
	[sflag:s7] =	ssyncset.done $0x0  }
.LBB2_2:
0x18: {  	s14 =	sadd.s32 s12, s6  }
0x19: {  	[sflag:s7] =	ssyncadd.s32 $0xFFFFC000;
	s12 =	smov.u32 s13;
	s15 =	sadd.s32 $0x10, s13  }
0x1a: {  	[tilespmem:s3], [sflag:$0x2] =	stream.linear.gather [hbm4b:s14+s3], $0x80, $0x38;
	[tilespmem:$0x4080] =	vst v63  }
0x1b: {  	p0 =	sne.s32 s13, $0x290;
	_ =	swait.ge [sflag:s7], $0x80  }
0x1c: {  	[sflag:s7] =	ssyncset.done $0x0  }
0x1d: {  	[sflag:s7] =	ssyncadd.s32 $0xFFFFFF80  }
0x1e: {  	[tilespmem:s8], [sflag:$0x1] =	stream.indirect.gather [hbm4b:s1+s8], $0x80, s3, s8, $0xb8;
	[tilespmem:$0x4080] =	vst v63  }
0x1f: {  	_ =	swait.ge [sflag:s9], $0x4000  }
.Ltmp0:
0x20: {  	[sflag:s9] =	ssyncset.done $0x0;
	(pc) =	sbr.rel @p0 .LBB2_2-.Ltmp0, $4  }
0x21: {  	[sflag:s9] =	ssyncadd.s32 $0xFFFFC000  }
0x22: {  	[hbm4b:s11+s3] =	stream.linear.scatter [tilespmem:s8], [sflag:$0x2], $0x4000, $0x38;
	[tilespmem:$0x4080] =	vst v63  }
0x23: {  	_ =	swait.ge [sflag:s7], $0x4000  }
0x24: {  	s13 =	smov.u32 s15;
	s11 =	sadd.s32 $0x800, s11;
	[sflag:s7] =	ssyncset.done $0x0  }
0x25: {  	s12 =	sadd.s32 s12, s6;
	[sflag:s7] =	ssyncadd.s32 $0xFFFFC000  }
0x26: {  	[tilespmem:s3], [sflag:$0x2] =	stream.linear.gather [hbm4b:s12+s3], $0x80, $0x38;
	[tilespmem:$0x4080] =	vst v63  }
0x27: {  	_ =	swait.ge [sflag:s7], $0x80  }
0x28: {  	[sflag:s7] =	ssyncset.done $0x0  }
0x29: {  	[sflag:s7] =	ssyncadd.s32 $0xFFFFFF80  }
0x2a: {  	[tilespmem:s8], [sflag:$0x1] =	stream.indirect.gather [hbm4b:s1+s8], $0x80, s3, s8, $0xb8;
	[tilespmem:$0x4080] =	vst v63  }
0x2b: {  	s10 =	sadd.s32 $0x1, s10;
	_ =	swait.ge [sflag:s9], $0x4000  }
0x2c: {  	p0 =	sne.s32 s10, s4;
	[sflag:s9] =	ssyncset.done $0x0  }
.Ltmp1:
0x2d: {  	[sflag:s9] =	ssyncadd.s32 $0xFFFFC000;
	(pc) =	sbr.rel @p0 .LBB2_1-.Ltmp1, $4  }
0x2e: {  	[hbm4b:s11+s3] =	stream.linear.scatter [tilespmem:s8], [sflag:$0x2], $0x4000, $0x38;
	[tilespmem:$0x4080] =	vst v63  }
0x2f: {  	_ =	swait.ge [sflag:s7], $0x4000  }
0x30: {  	[sflag:s7] =	ssyncset.done $0x0  }
0x31: {  	[sflag:s7] =	ssyncadd.s32 $0xFFFFC000  }
0x32: {  	_ =	sfence.sel $0x180000  }
0x33: {  	[bflag:$0x0] =	sbarrier.arrive $0xFFFF  }
0x34: {  	p0 =	sne.s32 s2, $0x0;
	_ =	strace $0x90000047  }
0x35: {  	s0 =	sadd.s32 @!p0 $0x100000, s0;
	[bflag:$0x2] =	sbarrier.arrive $0xFFFF  }
0x36: {  	[sflag:s0] =	ssyncadd.tile.s32 @!p0 $0x1;
	_ =	shalt  }
.Lfunc_end2:
_tile_overlayer_lowered:
.L_overlay_start_2:
0x37: {  	(tag) =	ssettag $0x2  }
0x38: {  	s0 =	rddreg [dreg:$0x0];
	s2 =	stileid.u32  }
0x39: {  	s1 =	rddreg [dreg:$0x1];
	p0 =	sne.s32 s2, $0x0  }
0x3a: {  	s3 =	rddreg [dreg:$0x2];
	[bflag:$0x3] =	sbarrier.arrive $0xFFFF;
	s2 =	simm.s32 @!p0 $0x1C02  }
0x3b: {  	[timem:s3], [sflag:s2] =	dma.local @!p0 [hbm:s0], s1  }
0x3c: {  	s0 =	simm.s32 @!p0 $0x2  }
0x3d: {  	_ =	swait.ge @!p0 [sflag:s0], s1  }
0x3e: {  	s1 =	ssub.s32 @!p0 $0x0, s1;
	[sflag:s0] =	ssyncset.done @!p0 $0x0  }
0x3f: {  	[sflag:s0] =	ssyncadd.s32 @!p0 s1  }
0x40: {  	[bflag:$0x3] =	sbarrier.arrive $0xFFFF  }
0x41: {  	_ =	shalt  }

</sc_bundles>
